<compile_context>
chip_gen: v7x
topology: tpu7x:2x2x1
jax: 0.10.2.dev20260603
libtpu: 0.0.44.dev20260713+nightly
codegen_flags: <defaults>
</compile_context>

<pallas_src>
import functools

import jax
import jax.numpy as jnp
from jax import lax
from jax.experimental import pallas as pl
from jax.experimental.pallas import tpu as pltpu
from jax.experimental.pallas import tpu_sc as plsc

N = 10000
D = 256
E = 160000

NC = 2
NS = 16
L = 16
H = D // NC
CH = 128
KE2 = -(-E // (CH * NS * NC))
KE = KE2 * NC
E2 = KE * CH * NS
EC = E2 // NC
BN = 1000
NP = 12288
KZ = NP // (CH * NS)

_mesh = plsc.VectorSubcoreMesh(core_axis_name="c", subcore_axis_name="s")


@functools.partial(
    pl.kernel,
    out_type=(
        jax.ShapeDtypeStruct((NC * NP, H), jnp.float32),
        jax.ShapeDtypeStruct((NC * NP, H), jnp.float32),
    ),
    mesh=_mesh,
    scratch_types=(
        pltpu.VMEM((CH,), jnp.int32),
        pltpu.VMEM((CH,), jnp.int32),
        pltpu.VMEM((CH,), jnp.int32),
        pltpu.VMEM((CH, H), jnp.float32),
        pltpu.VMEM_SHARED((NP, H), jnp.float32),
        pltpu.SemaphoreType.DMA,
    ),
)
def _sc_aggregate(x2, src2, dst2, z_blk, ones_in,
                  agg_out, cnt_out,
                  sidx, didx, zidx, rows, agg_sh, sem):
    c = lax.axis_index("c")
    s = lax.axis_index("s")

    lanes = lax.iota(jnp.int32, L)

    def _fill_zidx(base):
        for j in range(CH // L):
            zidx[pl.ds(j * L, L)] = base + j * L + lanes

    def _zero_accum():
        pltpu.sync_copy(z_blk, rows)

        @pl.loop(0, KZ)
        def _zero(k):
            _fill_zidx((k * NS + s) * CH)
            pltpu.sync_copy(rows, agg_sh.at[zidx])

    def _write_accum(out_ref):
        cbase = pl.multiple_of(c * NP, 8)

        @pl.loop(0, KZ)
        def _wout(k):
            base = pl.multiple_of((k * NS + s) * CH, CH)
            _fill_zidx(base)
            pltpu.async_copy(agg_sh.at[zidx], rows, sem).wait()
            pltpu.sync_copy(rows, out_ref.at[pl.ds(cbase + base, CH)])

    _zero_accum()
    plsc.subcore_barrier()

    @pl.loop(0, KE)
    def _chunk(k):
        off = pl.multiple_of((k * NS + s) * CH, CH)
        pltpu.sync_copy(src2.at[pl.ds(c * E2 + off, CH)], sidx)
        pltpu.sync_copy(dst2.at[pl.ds(off, CH)], didx)
        pltpu.async_copy(x2.at[sidx], rows, sem).wait()
        pltpu.sync_copy(rows, agg_sh.at[didx], add=True)

    plsc.subcore_barrier()
    _write_accum(agg_out)
    plsc.subcore_barrier()

    _zero_accum()
    plsc.subcore_barrier()
    pltpu.sync_copy(ones_in, rows)

    @pl.loop(0, KE2)
    def _cchunk(k):
        off = pl.multiple_of(c * EC + (k * NS + s) * CH, CH)
        pltpu.sync_copy(dst2.at[pl.ds(off, CH)], didx)
        pltpu.sync_copy(rows, agg_sh.at[didx], add=True)

    plsc.subcore_barrier()
    _write_accum(cnt_out)


def _tc_body(agg0, agg1, cnt0, cnt1, x, wlt, wrt, b, o):
    cnt = cnt0[0][:, 0:1] + cnt1[0][:, 0:1]
    r = 1.0 / jnp.maximum(cnt, 1.0)
    mean = jnp.concatenate([agg0[0] * r, agg1[0] * r], axis=1)
    o[...] = (jnp.dot(mean, wlt[...], preferred_element_type=jnp.float32)
              + jnp.dot(x[...], wrt[...], preferred_element_type=jnp.float32)
              + b[...])


def _tc_dense(agg2, cntp, x, wlt, wrt, b):
    nb = N // BN
    return pl.pallas_call(
        _tc_body,
        grid=(nb,),
        in_specs=[
            pl.BlockSpec((1, BN, H), lambda i: (0, i, 0)),
            pl.BlockSpec((1, BN, H), lambda i: (1, i, 0)),
            pl.BlockSpec((1, BN, H), lambda i: (0, i, 0)),
            pl.BlockSpec((1, BN, H), lambda i: (1, i, 0)),
            pl.BlockSpec((BN, D), lambda i: (i, 0)),
            pl.BlockSpec((D, D), lambda i: (0, 0)),
            pl.BlockSpec((D, D), lambda i: (0, 0)),
            pl.BlockSpec((1, D), lambda i: (0, 0)),
        ],
        out_specs=pl.BlockSpec((BN, D), lambda i: (i, 0)),
        out_shape=jax.ShapeDtypeStruct((N, D), jnp.float32),
    )(agg2, agg2, cntp, cntp, x, wlt, wrt, b)


def kernel(smashed_data, edge_index, W_l, b_l, W_r):
    x2 = jnp.transpose(smashed_data.reshape(N, NC, H), (1, 0, 2)).reshape(NC * N, H)
    src = edge_index[0]
    dst = edge_index[1]
    pad = E2 - E
    srcp = jnp.concatenate([src, jnp.zeros((pad,), jnp.int32)])
    src2 = jnp.concatenate([srcp, srcp + N])
    dst2 = jnp.concatenate([dst, jnp.full((pad,), N, jnp.int32)])
    z_blk = jnp.zeros((CH, H), jnp.float32)
    ones_in = jnp.ones((CH, H), jnp.float32)

    agg2, cntp = _sc_aggregate(x2, src2, dst2, z_blk, ones_in)
    agg2r = agg2.reshape(NC, NP, H)
    cntr = cntp.reshape(NC, NP, H)

    return _tc_dense(agg2r, cntr, smashed_data,
                     W_l.T, W_r.T, b_l.reshape(1, D))

# --- scband reference (transcript-rebuilt; emitter-appended) ---
"""Pipeline reference for scband-distillation-server-23502061043925 (READ-ONLY COPY).

The authoritative reference and input builder live on the scoring server;
editing this copy changes nothing except your own understanding.
"""

import jax, jax.numpy as jnp
import numpy as np

N = 10000
D = 256
E = 160000

def setup_inputs(seed: int = 0) -> dict:
    key = jax.random.key(seed)
    k1, k2, k3, k4, k5 = jax.random.split(key, 5)
    smashed_data = jax.random.normal(k1, (N, D), dtype=jnp.float32)
    edge_index = jax.random.randint(k2, (2, E), 0, N, dtype=jnp.int32)
    scale = 1.0 / np.sqrt(D)
    # PyG SAGEConv params: lin_l (applied to aggregated neighbors, with bias),
    # lin_r (applied to root/self features, no bias)
    W_l = jax.random.normal(k3, (D, D), dtype=jnp.float32) * scale
    b_l = jnp.zeros((D,), dtype=jnp.float32)
    W_r = jax.random.normal(k4, (D, D), dtype=jnp.float32) * scale
    return {"smashed_data": smashed_data, "edge_index": edge_index,
            "W_l": W_l, "b_l": b_l, "W_r": W_r}

def reference(smashed_data, edge_index, W_l, b_l, W_r):
    # SAGEConv with mean aggregation (PyG default):
    # out = lin_l(mean_{j in N(i)} x_j) + lin_r(x_i)
    src = edge_index[0]
    dst = edge_index[1]
    n = smashed_data.shape[0]
    msg = jnp.take(smashed_data, src, axis=0)               # gather [E, D]
    agg = jax.ops.segment_sum(msg, dst, num_segments=n)      # scatter-add [N, D]
    cnt = jax.ops.segment_sum(jnp.ones((src.shape[0],), dtype=smashed_data.dtype), dst, num_segments=n)
    cnt = jnp.clip(cnt, 1.0, None)
    mean = agg / cnt[:, None]
    out = mean @ W_l.T + b_l + smashed_data @ W_r.T
    return out

if __name__ == "__main__":
    import jax
    _d = setup_inputs()
    print(jax.jit(kernel)(*tuple(_d.values())))

</pallas_src>

<mosaic_0001>
#map = affine_map<(d0, d1) -> (0, 0)>
#map1 = affine_map<(d0, d1) -> (0)>
module attributes {stable_mosaic.version = 14 : i64} {
  func.func @_sc_aggregate(%arg0: i32, %arg1: i32, %arg2: memref<20000x128xf32, #tpu.memory_space<hbm>>, %arg3: memref<327680xi32, #tpu.memory_space<hbm>>, %arg4: memref<163840xi32, #tpu.memory_space<hbm>>, %arg5: memref<128x128xf32, #tpu.memory_space<hbm>>, %arg6: memref<128x128xf32, #tpu.memory_space<hbm>>, %arg7: memref<24576x128xf32, #tpu.memory_space<hbm>>, %arg8: memref<24576x128xf32, #tpu.memory_space<hbm>>, %arg9: memref<128xi32, #tpu.memory_space<vmem>>, %arg10: memref<128xi32, #tpu.memory_space<vmem>>, %arg11: memref<128xi32, #tpu.memory_space<vmem>>, %arg12: memref<128x128xf32, #tpu.memory_space<vmem>>, %arg13: memref<12288x128xf32, #tpu.memory_space<vmem_shared>>, %arg14: memref<!tpu.dma_semaphore, #tpu.memory_space<semaphore_mem>>) attributes {dimension_semantics = [#tpu.dimension_semantics<core_parallel>, #tpu.dimension_semantics<subcore_parallel>], iteration_bounds = array<i64: 2, 16>, scalar_prefetch = 0 : i64, scratch_operands = 6 : i64, tpu.core_type = #tpu.core_type<sc_vector_subcore>, window_params = [{transform_indices = #map}, {transform_indices = #map1}, {transform_indices = #map1}, {transform_indices = #map}, {transform_indices = #map}, {transform_indices = #map}, {transform_indices = #map}]} {
    %iota3A = tpu.iota {dimensions = array<i32: 0>} : vector<16xi32>
    "tpu.region"() ({
      %run_scoped3A = tpu.sem_alloc : memref<!tpu.dma_semaphore, #tpu.memory_space<semaphore_mem>>
      tpu.enqueue_dma source(%arg5 : memref<128x128xf32, #tpu.memory_space<hbm>>) target(%arg12 : memref<128x128xf32, #tpu.memory_space<vmem>>) target_semaphore(%run_scoped3A : memref<!tpu.dma_semaphore, #tpu.memory_space<semaphore_mem>>)
      tpu.wait_dma2 semaphore(%run_scoped3A : memref<!tpu.dma_semaphore, #tpu.memory_space<semaphore_mem>>) src(%arg5 : memref<128x128xf32, #tpu.memory_space<hbm>>) dst(%arg12 : memref<128x128xf32, #tpu.memory_space<vmem>>)
      tpu.yield
    }) : () -> ()
    %scan3A = arith.constant 0 : i32
    %scan3A_0 = arith.constant 6 : i32
    %scan3A_1 = arith.addi %scan3A, %scan3A_0 : i32
    %scan3A_2 = arith.constant 1 : i32
    scf.for %scan3A_37 = %scan3A to %scan3A_1 step %scan3A_2  : i32 {
      %mul3A_38 = arith.constant 1 : i32
      %mul3A_39 = arith.muli %scan3A_37, %mul3A_38 : i32
      %add3A = arith.constant 0 : i32
      %add3A_40 = arith.addi %add3A, %mul3A_39 : i32
      %mul3A_41 = arith.constant 16 : i32
      %mul3A_42 = arith.muli %add3A_40, %mul3A_41 : i32
      %add3A_43 = arith.addi %mul3A_42, %arg1 : i32
      %mul3A_44 = arith.constant 128 : i32
      %mul3A_45 = arith.muli %add3A_43, %mul3A_44 : i32
      %add3A_46 = arith.constant 0 : i32
      %add3A_47 = arith.addi %mul3A_45, %add3A_46 : i32
      %add3A_48 = vector.broadcast %add3A_47 : i32 to vector<16xi32>
      %add3A_49 = arith.addi %add3A_48, %iota3A : vector<16xi32>
      %swap3A = arith.constant 0 : index
      %swap3A_50 = tpu.vector_load %arg11[%swap3A] {strides = array<i32>} : memref<128xi32, #tpu.memory_space<vmem>>, vector<16xi32>,
      %swap3A_51 = vector.shape_cast %swap3A_50 : vector<16xi32> to vector<16xi32>
      %swap3A_52 = vector.shape_cast %add3A_49 : vector<16xi32> to vector<16xi32>
      tpu.vector_store %arg11[%swap3A], %swap3A_52 {strides = array<i32>} : memref<128xi32, #tpu.memory_space<vmem>>, vector<16xi32>,
      %add3A_53 = arith.constant 16 : i32
      %add3A_54 = arith.addi %mul3A_45, %add3A_53 : i32
      %add3A_55 = vector.broadcast %add3A_54 : i32 to vector<16xi32>
      %add3A_56 = arith.addi %add3A_55, %iota3A : vector<16xi32>
      %swap3A_57 = arith.constant 16 : index
      %swap3A_58 = tpu.vector_load %arg11[%swap3A_57] {strides = array<i32>} : memref<128xi32, #tpu.memory_space<vmem>>, vector<16xi32>,
      %swap3A_59 = vector.shape_cast %swap3A_58 : vector<16xi32> to vector<16xi32>
      %swap3A_60 = vector.shape_cast %add3A_56 : vector<16xi32> to vector<16xi32>
      tpu.vector_store %arg11[%swap3A_57], %swap3A_60 {strides = array<i32>} : memref<128xi32, #tpu.memory_space<vmem>>, vector<16xi32>,
      %add3A_61 = arith.constant 32 : i32
      %add3A_62 = arith.addi %mul3A_45, %add3A_61 : i32
      %add3A_63 = vector.broadcast %add3A_62 : i32 to vector<16xi32>
      %add3A_64 = arith.addi %add3A_63, %iota3A : vector<16xi32>
      %swap3A_65 = arith.constant 32 : index
      %swap3A_66 = tpu.vector_load %arg11[%swap3A_65] {strides = array<i32>} : memref<128xi32, #tpu.memory_space<vmem>>, vector<16xi32>,
      %swap3A_67 = vector.shape_cast %swap3A_66 : vector<16xi32> to vector<16xi32>
      %swap3A_68 = vector.shape_cast %add3A_64 : vector<16xi32> to vector<16xi32>
      tpu.vector_store %arg11[%swap3A_65], %swap3A_68 {strides = array<i32>} : memref<128xi32, #tpu.memory_space<vmem>>, vector<16xi32>,
      %add3A_69 = arith.constant 48 : i32
      %add3A_70 = arith.addi %mul3A_45, %add3A_69 : i32
      %add3A_71 = vector.broadcast %add3A_70 : i32 to vector<16xi32>
      %add3A_72 = arith.addi %add3A_71, %iota3A : vector<16xi32>
      %swap3A_73 = arith.constant 48 : index
      %swap3A_74 = tpu.vector_load %arg11[%swap3A_73] {strides = array<i32>} : memref<128xi32, #tpu.memory_space<vmem>>, vector<16xi32>,
      %swap3A_75 = vector.shape_cast %swap3A_74 : vector<16xi32> to vector<16xi32>
      %swap3A_76 = vector.shape_cast %add3A_72 : vector<16xi32> to vector<16xi32>
      tpu.vector_store %arg11[%swap3A_73], %swap3A_76 {strides = array<i32>} : memref<128xi32, #tpu.memory_space<vmem>>, vector<16xi32>,
      %add3A_77 = arith.constant 64 : i32
      %add3A_78 = arith.addi %mul3A_45, %add3A_77 : i32
      %add3A_79 = vector.broadcast %add3A_78 : i32 to vector<16xi32>
      %add3A_80 = arith.addi %add3A_79, %iota3A : vector<16xi32>
      %swap3A_81 = arith.constant 64 : index
      %swap3A_82 = tpu.vector_load %arg11[%swap3A_81] {strides = array<i32>} : memref<128xi32, #tpu.memory_space<vmem>>, vector<16xi32>,
      %swap3A_83 = vector.shape_cast %swap3A_82 : vector<16xi32> to vector<16xi32>
      %swap3A_84 = vector.shape_cast %add3A_80 : vector<16xi32> to vector<16xi32>
      tpu.vector_store %arg11[%swap3A_81], %swap3A_84 {strides = array<i32>} : memref<128xi32, #tpu.memory_space<vmem>>, vector<16xi32>,
      %add3A_85 = arith.constant 80 : i32
      %add3A_86 = arith.addi %mul3A_45, %add3A_85 : i32
      %add3A_87 = vector.broadcast %add3A_86 : i32 to vector<16xi32>
      %add3A_88 = arith.addi %add3A_87, %iota3A : vector<16xi32>
      %swap3A_89 = arith.constant 80 : index
      %swap3A_90 = tpu.vector_load %arg11[%swap3A_89] {strides = array<i32>} : memref<128xi32, #tpu.memory_space<vmem>>, vector<16xi32>,
      %swap3A_91 = vector.shape_cast %swap3A_90 : vector<16xi32> to vector<16xi32>
      %swap3A_92 = vector.shape_cast %add3A_88 : vector<16xi32> to vector<16xi32>
      tpu.vector_store %arg11[%swap3A_89], %swap3A_92 {strides = array<i32>} : memref<128xi32, #tpu.memory_space<vmem>>, vector<16xi32>,
      %add3A_93 = arith.constant 96 : i32
      %add3A_94 = arith.addi %mul3A_45, %add3A_93 : i32
      %add3A_95 = vector.broadcast %add3A_94 : i32 to vector<16xi32>
      %add3A_96 = arith.addi %add3A_95, %iota3A : vector<16xi32>
      %swap3A_97 = arith.constant 96 : index
      %swap3A_98 = tpu.vector_load %arg11[%swap3A_97] {strides = array<i32>} : memref<128xi32, #tpu.memory_space<vmem>>, vector<16xi32>,
      %swap3A_99 = vector.shape_cast %swap3A_98 : vector<16xi32> to vector<16xi32>
      %swap3A_100 = vector.shape_cast %add3A_96 : vector<16xi32> to vector<16xi32>
      tpu.vector_store %arg11[%swap3A_97], %swap3A_100 {strides = array<i32>} : memref<128xi32, #tpu.memory_space<vmem>>, vector<16xi32>,
      %add3A_101 = arith.constant 112 : i32
      %add3A_102 = arith.addi %mul3A_45, %add3A_101 : i32
      %add3A_103 = vector.broadcast %add3A_102 : i32 to vector<16xi32>
      %add3A_104 = arith.addi %add3A_103, %iota3A : vector<16xi32>
      %swap3A_105 = arith.constant 112 : index
      %swap3A_106 = tpu.vector_load %arg11[%swap3A_105] {strides = array<i32>} : memref<128xi32, #tpu.memory_space<vmem>>, vector<16xi32>,
      %swap3A_107 = vector.shape_cast %swap3A_106 : vector<16xi32> to vector<16xi32>
      %swap3A_108 = vector.shape_cast %add3A_104 : vector<16xi32> to vector<16xi32>
      tpu.vector_store %arg11[%swap3A_105], %swap3A_108 {strides = array<i32>} : memref<128xi32, #tpu.memory_space<vmem>>, vector<16xi32>,
      "tpu.region"() ({
        %run_scoped3A = tpu.sem_alloc : memref<!tpu.dma_semaphore, #tpu.memory_space<semaphore_mem>>
        %dma_start3A = arith.constant 0 : i32
        %dma_start3A_109 = arith.constant 0 : i32
        %dma_start3A_110 = tpu.memref_slice %arg13[%dma_start3A, %dma_start3A_109] : memref<12288x128xf32, #tpu.memory_space<vmem_shared>> -> memref<12288x128xf32, #tpu.memory_space<vmem_shared>>
        tpu.enqueue_indirect_dma source(%arg12 : memref<128x128xf32, #tpu.memory_space<vmem>>) target(%dma_start3A_110 : memref<12288x128xf32, #tpu.memory_space<vmem_shared>>) offsets(%arg11 : memref<128xi32, #tpu.memory_space<vmem>>) semaphore(%run_scoped3A : memref<!tpu.dma_semaphore, #tpu.memory_space<semaphore_mem>>)
        %dma_wait3A = arith.constant 0 : i32
        %dma_wait3A_111 = arith.constant 0 : i32
        %dma_wait3A_112 = tpu.memref_slice %arg13[%dma_wait3A, %dma_wait3A_111] : memref<12288x128xf32, #tpu.memory_space<vmem_shared>> -> memref<12288x128xf32, #tpu.memory_space<vmem_shared>>
        tpu.wait_indirect_dma semaphore(%run_scoped3A : memref<!tpu.dma_semaphore, #tpu.memory_space<semaphore_mem>>) src(%arg12 : memref<128x128xf32, #tpu.memory_space<vmem>>) dst(%dma_wait3A_112 : memref<12288x128xf32, #tpu.memory_space<vmem_shared>>)
        tpu.yield
      }) : () -> ()
    }
    %scan3A_3 = arith.constant 6 : i32
    %barrier3A = arith.constant 0 : index
    tpu.barrier barrier_id(%barrier3A)
    %scan3A_4 = arith.constant 0 : i32
    %scan3A_5 = arith.constant 80 : i32
    %scan3A_6 = arith.addi %scan3A_4, %scan3A_5 : i32
    %scan3A_7 = arith.constant 1 : i32
    scf.for %scan3A_37 = %scan3A_4 to %scan3A_6 step %scan3A_7  : i32 {
      %mul3A_38 = arith.constant 1 : i32
      %mul3A_39 = arith.muli %scan3A_37, %mul3A_38 : i32
      %add3A = arith.constant 0 : i32
      %add3A_40 = arith.addi %add3A, %mul3A_39 : i32
      %mul3A_41 = arith.constant 16 : i32
      %mul3A_42 = arith.muli %add3A_40, %mul3A_41 : i32
      %add3A_43 = arith.addi %mul3A_42, %arg1 : i32
      %mul3A_44 = arith.constant 128 : i32
      %mul3A_45 = arith.muli %add3A_43, %mul3A_44 : i32
      %multiple_of3A_46 = tpu.assume_multiple %mul3A_45, 128 : i32
      %mul3A_47 = arith.constant 163840 : i32
      %mul3A_48 = arith.muli %arg0, %mul3A_47 : i32
      %add3A_49 = arith.addi %mul3A_48, %multiple_of3A_46 : i32
      "tpu.region"() ({
        %run_scoped3A = tpu.sem_alloc : memref<!tpu.dma_semaphore, #tpu.memory_space<semaphore_mem>>
        %dma_start3A_54 = tpu.memref_slice %arg3[%add3A_49] : memref<327680xi32, #tpu.memory_space<hbm>> -> memref<128xi32, #tpu.memory_space<hbm>>
        %dma_start3A_55 = tpu.memref_slice %arg3[%add3A_49] : memref<327680xi32, #tpu.memory_space<hbm>> -> memref<128xi32, #tpu.memory_space<hbm>>
        tpu.enqueue_dma source(%dma_start3A_55 : memref<128xi32, #tpu.memory_space<hbm>>) target(%arg9 : memref<128xi32, #tpu.memory_space<vmem>>) target_semaphore(%run_scoped3A : memref<!tpu.dma_semaphore, #tpu.memory_space<semaphore_mem>>)
        %dma_wait3A_56 = tpu.memref_slice %arg3[%add3A_49] : memref<327680xi32, #tpu.memory_space<hbm>> -> memref<128xi32, #tpu.memory_space<hbm>>
        %dma_wait3A_57 = tpu.memref_slice %arg3[%add3A_49] : memref<327680xi32, #tpu.memory_space<hbm>> -> memref<128xi32, #tpu.memory_space<hbm>>
        tpu.wait_dma2 semaphore(%run_scoped3A : memref<!tpu.dma_semaphore, #tpu.memory_space<semaphore_mem>>) src(%dma_wait3A_57 : memref<128xi32, #tpu.memory_space<hbm>>) dst(%arg9 : memref<128xi32, #tpu.memory_space<vmem>>)
        tpu.yield
      }) : () -> ()
      "tpu.region"() ({
        %run_scoped3A = tpu.sem_alloc : memref<!tpu.dma_semaphore, #tpu.memory_space<semaphore_mem>>
        %dma_start3A_54 = tpu.memref_slice %arg4[%multiple_of3A_46] : memref<163840xi32, #tpu.memory_space<hbm>> -> memref<128xi32, #tpu.memory_space<hbm>>
        %dma_start3A_55 = tpu.memref_slice %arg4[%multiple_of3A_46] : memref<163840xi32, #tpu.memory_space<hbm>> -> memref<128xi32, #tpu.memory_space<hbm>>
        tpu.enqueue_dma source(%dma_start3A_55 : memref<128xi32, #tpu.memory_space<hbm>>) target(%arg10 : memref<128xi32, #tpu.memory_space<vmem>>) target_semaphore(%run_scoped3A : memref<!tpu.dma_semaphore, #tpu.memory_space<semaphore_mem>>)
        %dma_wait3A_56 = tpu.memref_slice %arg4[%multiple_of3A_46] : memref<163840xi32, #tpu.memory_space<hbm>> -> memref<128xi32, #tpu.memory_space<hbm>>
        %dma_wait3A_57 = tpu.memref_slice %arg4[%multiple_of3A_46] : memref<163840xi32, #tpu.memory_space<hbm>> -> memref<128xi32, #tpu.memory_space<hbm>>
        tpu.wait_dma2 semaphore(%run_scoped3A : memref<!tpu.dma_semaphore, #tpu.memory_space<semaphore_mem>>) src(%dma_wait3A_57 : memref<128xi32, #tpu.memory_space<hbm>>) dst(%arg10 : memref<128xi32, #tpu.memory_space<vmem>>)
        tpu.yield
      }) : () -> ()
      %dma_start3A = arith.constant 0 : i32
      %dma_start3A_50 = arith.constant 0 : i32
      %dma_start3A_51 = tpu.memref_slice %arg2[%dma_start3A, %dma_start3A_50] : memref<20000x128xf32, #tpu.memory_space<hbm>> -> memref<20000x128xf32, #tpu.memory_space<hbm>>
      tpu.enqueue_indirect_dma source(%dma_start3A_51 : memref<20000x128xf32, #tpu.memory_space<hbm>>) target(%arg12 : memref<128x128xf32, #tpu.memory_space<vmem>>) offsets(%arg9 : memref<128xi32, #tpu.memory_space<vmem>>) semaphore(%arg14 : memref<!tpu.dma_semaphore, #tpu.memory_space<semaphore_mem>>)
      %dma_wait3A = arith.constant 0 : i32
      %dma_wait3A_52 = arith.constant 0 : i32
      %dma_wait3A_53 = tpu.memref_slice %arg2[%dma_wait3A, %dma_wait3A_52] : memref<20000x128xf32, #tpu.memory_space<hbm>> -> memref<20000x128xf32, #tpu.memory_space<hbm>>
      tpu.wait_indirect_dma semaphore(%arg14 : memref<!tpu.dma_semaphore, #tpu.memory_space<semaphore_mem>>) src(%dma_wait3A_53 : memref<20000x128xf32, #tpu.memory_space<hbm>>) dst(%arg12 : memref<128x128xf32, #tpu.memory_space<vmem>>)
      "tpu.region"() ({
        %run_scoped3A = tpu.sem_alloc : memref<!tpu.dma_semaphore, #tpu.memory_space<semaphore_mem>>
        %dma_start3A_54 = arith.constant 0 : i32
        %dma_start3A_55 = arith.constant 0 : i32
        %dma_start3A_56 = tpu.memref_slice %arg13[%dma_start3A_54, %dma_start3A_55] : memref<12288x128xf32, #tpu.memory_space<vmem_shared>> -> memref<12288x128xf32, #tpu.memory_space<vmem_shared>>
        tpu.enqueue_indirect_dma source(%arg12 : memref<128x128xf32, #tpu.memory_space<vmem>>) target(%dma_start3A_56 : memref<12288x128xf32, #tpu.memory_space<vmem_shared>>) offsets(%arg10 : memref<128xi32, #tpu.memory_space<vmem>>) semaphore(%run_scoped3A : memref<!tpu.dma_semaphore, #tpu.memory_space<semaphore_mem>>) {add = true}
        %dma_wait3A_57 = arith.constant 0 : i32
        %dma_wait3A_58 = arith.constant 0 : i32
        %dma_wait3A_59 = tpu.memref_slice %arg13[%dma_wait3A_57, %dma_wait3A_58] : memref<12288x128xf32, #tpu.memory_space<vmem_shared>> -> memref<12288x128xf32, #tpu.memory_space<vmem_shared>>
        tpu.wait_indirect_dma semaphore(%run_scoped3A : memref<!tpu.dma_semaphore, #tpu.memory_space<semaphore_mem>>) src(%arg12 : memref<128x128xf32, #tpu.memory_space<vmem>>) dst(%dma_wait3A_59 : memref<12288x128xf32, #tpu.memory_space<vmem_shared>>)
        tpu.yield
      }) : () -> ()
    }
    %scan3A_8 = arith.constant 80 : i32
    %barrier3A_9 = arith.constant 0 : index
    tpu.barrier barrier_id(%barrier3A_9)
    %mul3A = arith.constant 12288 : i32
    %mul3A_10 = arith.muli %arg0, %mul3A : i32
    %multiple_of3A = tpu.assume_multiple %mul3A_10, 8 : i32
    %scan3A_11 = arith.constant 0 : i32
    %scan3A_12 = arith.constant 6 : i32
    %scan3A_13 = arith.addi %scan3A_11, %scan3A_12 : i32
    %scan3A_14 = arith.constant 1 : i32
    scf.for %scan3A_37 = %scan3A_11 to %scan3A_13 step %scan3A_14  : i32 {
      %mul3A_38 = arith.constant 1 : i32
      %mul3A_39 = arith.muli %scan3A_37, %mul3A_38 : i32
      %add3A = arith.constant 0 : i32
      %add3A_40 = arith.addi %add3A, %mul3A_39 : i32
      %mul3A_41 = arith.constant 16 : i32
      %mul3A_42 = arith.muli %add3A_40, %mul3A_41 : i32
      %add3A_43 = arith.addi %mul3A_42, %arg1 : i32
      %mul3A_44 = arith.constant 128 : i32
      %mul3A_45 = arith.muli %add3A_43, %mul3A_44 : i32
      %multiple_of3A_46 = tpu.assume_multiple %mul3A_45, 128 : i32
      %add3A_47 = arith.constant 0 : i32
      %add3A_48 = arith.addi %multiple_of3A_46, %add3A_47 : i32
      %add3A_49 = vector.broadcast %add3A_48 : i32 to vector<16xi32>
      %add3A_50 = arith.addi %add3A_49, %iota3A : vector<16xi32>
      %swap3A = arith.constant 0 : index
      %swap3A_51 = tpu.vector_load %arg11[%swap3A] {strides = array<i32>} : memref<128xi32, #tpu.memory_space<vmem>>, vector<16xi32>,
      %swap3A_52 = vector.shape_cast %swap3A_51 : vector<16xi32> to vector<16xi32>
      %swap3A_53 = vector.shape_cast %add3A_50 : vector<16xi32> to vector<16xi32>
      tpu.vector_store %arg11[%swap3A], %swap3A_53 {strides = array<i32>} : memref<128xi32, #tpu.memory_space<vmem>>, vector<16xi32>,
      %add3A_54 = arith.constant 16 : i32
      %add3A_55 = arith.addi %multiple_of3A_46, %add3A_54 : i32
      %add3A_56 = vector.broadcast %add3A_55 : i32 to vector<16xi32>
      %add3A_57 = arith.addi %add3A_56, %iota3A : vector<16xi32>
      %swap3A_58 = arith.constant 16 : index
      %swap3A_59 = tpu.vector_load %arg11[%swap3A_58] {strides = array<i32>} : memref<128xi32, #tpu.memory_space<vmem>>, vector<16xi32>,
      %swap3A_60 = vector.shape_cast %swap3A_59 : vector<16xi32> to vector<16xi32>
      %swap3A_61 = vector.shape_cast %add3A_57 : vector<16xi32> to vector<16xi32>
      tpu.vector_store %arg11[%swap3A_58], %swap3A_61 {strides = array<i32>} : memref<128xi32, #tpu.memory_space<vmem>>, vector<16xi32>,
      %add3A_62 = arith.constant 32 : i32
      %add3A_63 = arith.addi %multiple_of3A_46, %add3A_62 : i32
      %add3A_64 = vector.broadcast %add3A_63 : i32 to vector<16xi32>
      %add3A_65 = arith.addi %add3A_64, %iota3A : vector<16xi32>
      %swap3A_66 = arith.constant 32 : index
      %swap3A_67 = tpu.vector_load %arg11[%swap3A_66] {strides = array<i32>} : memref<128xi32, #tpu.memory_space<vmem>>, vector<16xi32>,
      %swap3A_68 = vector.shape_cast %swap3A_67 : vector<16xi32> to vector<16xi32>
      %swap3A_69 = vector.shape_cast %add3A_65 : vector<16xi32> to vector<16xi32>
      tpu.vector_store %arg11[%swap3A_66], %swap3A_69 {strides = array<i32>} : memref<128xi32, #tpu.memory_space<vmem>>, vector<16xi32>,
      %add3A_70 = arith.constant 48 : i32
      %add3A_71 = arith.addi %multiple_of3A_46, %add3A_70 : i32
      %add3A_72 = vector.broadcast %add3A_71 : i32 to vector<16xi32>
      %add3A_73 = arith.addi %add3A_72, %iota3A : vector<16xi32>
      %swap3A_74 = arith.constant 48 : index
      %swap3A_75 = tpu.vector_load %arg11[%swap3A_74] {strides = array<i32>} : memref<128xi32, #tpu.memory_space<vmem>>, vector<16xi32>,
      %swap3A_76 = vector.shape_cast %swap3A_75 : vector<16xi32> to vector<16xi32>
      %swap3A_77 = vector.shape_cast %add3A_73 : vector<16xi32> to vector<16xi32>
      tpu.vector_store %arg11[%swap3A_74], %swap3A_77 {strides = array<i32>} : memref<128xi32, #tpu.memory_space<vmem>>, vector<16xi32>,
      %add3A_78 = arith.constant 64 : i32
      %add3A_79 = arith.addi %multiple_of3A_46, %add3A_78 : i32
      %add3A_80 = vector.broadcast %add3A_79 : i32 to vector<16xi32>
      %add3A_81 = arith.addi %add3A_80, %iota3A : vector<16xi32>
      %swap3A_82 = arith.constant 64 : index
      %swap3A_83 = tpu.vector_load %arg11[%swap3A_82] {strides = array<i32>} : memref<128xi32, #tpu.memory_space<vmem>>, vector<16xi32>,
      %swap3A_84 = vector.shape_cast %swap3A_83 : vector<16xi32> to vector<16xi32>
      %swap3A_85 = vector.shape_cast %add3A_81 : vector<16xi32> to vector<16xi32>
      tpu.vector_store %arg11[%swap3A_82], %swap3A_85 {strides = array<i32>} : memref<128xi32, #tpu.memory_space<vmem>>, vector<16xi32>,
      %add3A_86 = arith.constant 80 : i32
      %add3A_87 = arith.addi %multiple_of3A_46, %add3A_86 : i32
      %add3A_88 = vector.broadcast %add3A_87 : i32 to vector<16xi32>
      %add3A_89 = arith.addi %add3A_88, %iota3A : vector<16xi32>
      %swap3A_90 = arith.constant 80 : index
      %swap3A_91 = tpu.vector_load %arg11[%swap3A_90] {strides = array<i32>} : memref<128xi32, #tpu.memory_space<vmem>>, vector<16xi32>,
      %swap3A_92 = vector.shape_cast %swap3A_91 : vector<16xi32> to vector<16xi32>
      %swap3A_93 = vector.shape_cast %add3A_89 : vector<16xi32> to vector<16xi32>
      tpu.vector_store %arg11[%swap3A_90], %swap3A_93 {strides = array<i32>} : memref<128xi32, #tpu.memory_space<vmem>>, vector<16xi32>,
      %add3A_94 = arith.constant 96 : i32
      %add3A_95 = arith.addi %multiple_of3A_46, %add3A_94 : i32
      %add3A_96 = vector.broadcast %add3A_95 : i32 to vector<16xi32>
      %add3A_97 = arith.addi %add3A_96, %iota3A : vector<16xi32>
      %swap3A_98 = arith.constant 96 : index
      %swap3A_99 = tpu.vector_load %arg11[%swap3A_98] {strides = array<i32>} : memref<128xi32, #tpu.memory_space<vmem>>, vector<16xi32>,
      %swap3A_100 = vector.shape_cast %swap3A_99 : vector<16xi32> to vector<16xi32>
      %swap3A_101 = vector.shape_cast %add3A_97 : vector<16xi32> to vector<16xi32>
      tpu.vector_store %arg11[%swap3A_98], %swap3A_101 {strides = array<i32>} : memref<128xi32, #tpu.memory_space<vmem>>, vector<16xi32>,
      %add3A_102 = arith.constant 112 : i32
      %add3A_103 = arith.addi %multiple_of3A_46, %add3A_102 : i32
      %add3A_104 = vector.broadcast %add3A_103 : i32 to vector<16xi32>
      %add3A_105 = arith.addi %add3A_104, %iota3A : vector<16xi32>
      %swap3A_106 = arith.constant 112 : index
      %swap3A_107 = tpu.vector_load %arg11[%swap3A_106] {strides = array<i32>} : memref<128xi32, #tpu.memory_space<vmem>>, vector<16xi32>,
      %swap3A_108 = vector.shape_cast %swap3A_107 : vector<16xi32> to vector<16xi32>
      %swap3A_109 = vector.shape_cast %add3A_105 : vector<16xi32> to vector<16xi32>
      tpu.vector_store %arg11[%swap3A_106], %swap3A_109 {strides = array<i32>} : memref<128xi32, #tpu.memory_space<vmem>>, vector<16xi32>,
      %dma_start3A = arith.constant 0 : i32
      %dma_start3A_110 = arith.constant 0 : i32
      %dma_start3A_111 = tpu.memref_slice %arg13[%dma_start3A, %dma_start3A_110] : memref<12288x128xf32, #tpu.memory_space<vmem_shared>> -> memref<12288x128xf32, #tpu.memory_space<vmem_shared>>
      tpu.enqueue_indirect_dma source(%dma_start3A_111 : memref<12288x128xf32, #tpu.memory_space<vmem_shared>>) target(%arg12 : memref<128x128xf32, #tpu.memory_space<vmem>>) offsets(%arg11 : memref<128xi32, #tpu.memory_space<vmem>>) semaphore(%arg14 : memref<!tpu.dma_semaphore, #tpu.memory_space<semaphore_mem>>)
      %dma_wait3A = arith.constant 0 : i32
      %dma_wait3A_112 = arith.constant 0 : i32
      %dma_wait3A_113 = tpu.memref_slice %arg13[%dma_wait3A, %dma_wait3A_112] : memref<12288x128xf32, #tpu.memory_space<vmem_shared>> -> memref<12288x128xf32, #tpu.memory_space<vmem_shared>>
      tpu.wait_indirect_dma semaphore(%arg14 : memref<!tpu.dma_semaphore, #tpu.memory_space<semaphore_mem>>) src(%dma_wait3A_113 : memref<12288x128xf32, #tpu.memory_space<vmem_shared>>) dst(%arg12 : memref<128x128xf32, #tpu.memory_space<vmem>>)
      %add3A_114 = arith.addi %multiple_of3A, %multiple_of3A_46 : i32
      "tpu.region"() ({
        %run_scoped3A = tpu.sem_alloc : memref<!tpu.dma_semaphore, #tpu.memory_space<semaphore_mem>>
        %dma_start3A_115 = arith.constant 0 : i32
        %dma_start3A_116 = tpu.memref_slice %arg7[%add3A_114, %dma_start3A_115] : memref<24576x128xf32, #tpu.memory_space<hbm>> -> memref<128x128xf32, #tpu.memory_space<hbm>>
        %dma_start3A_117 = arith.constant 0 : i32
        %dma_start3A_118 = tpu.memref_slice %arg7[%add3A_114, %dma_start3A_117] : memref<24576x128xf32, #tpu.memory_space<hbm>> -> memref<128x128xf32, #tpu.memory_space<hbm>>
        tpu.enqueue_dma source(%arg12 : memref<128x128xf32, #tpu.memory_space<vmem>>) target(%dma_start3A_118 : memref<128x128xf32, #tpu.memory_space<hbm>>) target_semaphore(%run_scoped3A : memref<!tpu.dma_semaphore, #tpu.memory_space<semaphore_mem>>)
        %dma_wait3A_119 = arith.constant 0 : i32
        %dma_wait3A_120 = tpu.memref_slice %arg7[%add3A_114, %dma_wait3A_119] : memref<24576x128xf32, #tpu.memory_space<hbm>> -> memref<128x128xf32, #tpu.memory_space<hbm>>
        %dma_wait3A_121 = arith.constant 0 : i32
        %dma_wait3A_122 = tpu.memref_slice %arg7[%add3A_114, %dma_wait3A_121] : memref<24576x128xf32, #tpu.memory_space<hbm>> -> memref<128x128xf32, #tpu.memory_space<hbm>>
        tpu.wait_dma2 semaphore(%run_scoped3A : memref<!tpu.dma_semaphore, #tpu.memory_space<semaphore_mem>>) src(%arg12 : memref<128x128xf32, #tpu.memory_space<vmem>>) dst(%dma_wait3A_122 : memref<128x128xf32, #tpu.memory_space<hbm>>)
        tpu.yield
      }) : () -> ()
    }
    %scan3A_15 = arith.constant 6 : i32
    %barrier3A_16 = arith.constant 0 : index
    tpu.barrier barrier_id(%barrier3A_16)
    "tpu.region"() ({
      %run_scoped3A = tpu.sem_alloc : memref<!tpu.dma_semaphore, #tpu.memory_space<semaphore_mem>>
      tpu.enqueue_dma source(%arg5 : memref<128x128xf32, #tpu.memory_space<hbm>>) target(%arg12 : memref<128x128xf32, #tpu.memory_space<vmem>>) target_semaphore(%run_scoped3A : memref<!tpu.dma_semaphore, #tpu.memory_space<semaphore_mem>>)
      tpu.wait_dma2 semaphore(%run_scoped3A : memref<!tpu.dma_semaphore, #tpu.memory_space<semaphore_mem>>) src(%arg5 : memref<128x128xf32, #tpu.memory_space<hbm>>) dst(%arg12 : memref<128x128xf32, #tpu.memory_space<vmem>>)
      tpu.yield
    }) : () -> ()
    %scan3A_17 = arith.constant 0 : i32
    %scan3A_18 = arith.constant 6 : i32
    %scan3A_19 = arith.addi %scan3A_17, %scan3A_18 : i32
    %scan3A_20 = arith.constant 1 : i32
    scf.for %scan3A_37 = %scan3A_17 to %scan3A_19 step %scan3A_20  : i32 {
      %mul3A_38 = arith.constant 1 : i32
      %mul3A_39 = arith.muli %scan3A_37, %mul3A_38 : i32
      %add3A = arith.constant 0 : i32
      %add3A_40 = arith.addi %add3A, %mul3A_39 : i32
      %mul3A_41 = arith.constant 16 : i32
      %mul3A_42 = arith.muli %add3A_40, %mul3A_41 : i32
      %add3A_43 = arith.addi %mul3A_42, %arg1 : i32
      %mul3A_44 = arith.constant 128 : i32
      %mul3A_45 = arith.muli %add3A_43, %mul3A_44 : i32
      %add3A_46 = arith.constant 0 : i32
      %add3A_47 = arith.addi %mul3A_45, %add3A_46 : i32
      %add3A_48 = vector.broadcast %add3A_47 : i32 to vector<16xi32>
      %add3A_49 = arith.addi %add3A_48, %iota3A : vector<16xi32>
      %swap3A = arith.constant 0 : index
      %swap3A_50 = tpu.vector_load %arg11[%swap3A] {strides = array<i32>} : memref<128xi32, #tpu.memory_space<vmem>>, vector<16xi32>,
      %swap3A_51 = vector.shape_cast %swap3A_50 : vector<16xi32> to vector<16xi32>
      %swap3A_52 = vector.shape_cast %add3A_49 : vector<16xi32> to vector<16xi32>
      tpu.vector_store %arg11[%swap3A], %swap3A_52 {strides = array<i32>} : memref<128xi32, #tpu.memory_space<vmem>>, vector<16xi32>,
      %add3A_53 = arith.constant 16 : i32
      %add3A_54 = arith.addi %mul3A_45, %add3A_53 : i32
      %add3A_55 = vector.broadcast %add3A_54 : i32 to vector<16xi32>
      %add3A_56 = arith.addi %add3A_55, %iota3A : vector<16xi32>
      %swap3A_57 = arith.constant 16 : index
      %swap3A_58 = tpu.vector_load %arg11[%swap3A_57] {strides = array<i32>} : memref<128xi32, #tpu.memory_space<vmem>>, vector<16xi32>,
      %swap3A_59 = vector.shape_cast %swap3A_58 : vector<16xi32> to vector<16xi32>
      %swap3A_60 = vector.shape_cast %add3A_56 : vector<16xi32> to vector<16xi32>
      tpu.vector_store %arg11[%swap3A_57], %swap3A_60 {strides = array<i32>} : memref<128xi32, #tpu.memory_space<vmem>>, vector<16xi32>,
      %add3A_61 = arith.constant 32 : i32
      %add3A_62 = arith.addi %mul3A_45, %add3A_61 : i32
      %add3A_63 = vector.broadcast %add3A_62 : i32 to vector<16xi32>
      %add3A_64 = arith.addi %add3A_63, %iota3A : vector<16xi32>
      %swap3A_65 = arith.constant 32 : index
      %swap3A_66 = tpu.vector_load %arg11[%swap3A_65] {strides = array<i32>} : memref<128xi32, #tpu.memory_space<vmem>>, vector<16xi32>,
      %swap3A_67 = vector.shape_cast %swap3A_66 : vector<16xi32> to vector<16xi32>
      %swap3A_68 = vector.shape_cast %add3A_64 : vector<16xi32> to vector<16xi32>
      tpu.vector_store %arg11[%swap3A_65], %swap3A_68 {strides = array<i32>} : memref<128xi32, #tpu.memory_space<vmem>>, vector<16xi32>,
      %add3A_69 = arith.constant 48 : i32
      %add3A_70 = arith.addi %mul3A_45, %add3A_69 : i32
      %add3A_71 = vector.broadcast %add3A_70 : i32 to vector<16xi32>
      %add3A_72 = arith.addi %add3A_71, %iota3A : vector<16xi32>
      %swap3A_73 = arith.constant 48 : index
      %swap3A_74 = tpu.vector_load %arg11[%swap3A_73] {strides = array<i32>} : memref<128xi32, #tpu.memory_space<vmem>>, vector<16xi32>,
      %swap3A_75 = vector.shape_cast %swap3A_74 : vector<16xi32> to vector<16xi32>
      %swap3A_76 = vector.shape_cast %add3A_72 : vector<16xi32> to vector<16xi32>
      tpu.vector_store %arg11[%swap3A_73], %swap3A_76 {strides = array<i32>} : memref<128xi32, #tpu.memory_space<vmem>>, vector<16xi32>,
      %add3A_77 = arith.constant 64 : i32
      %add3A_78 = arith.addi %mul3A_45, %add3A_77 : i32
      %add3A_79 = vector.broadcast %add3A_78 : i32 to vector<16xi32>
      %add3A_80 = arith.addi %add3A_79, %iota3A : vector<16xi32>
      %swap3A_81 = arith.constant 64 : index
      %swap3A_82 = tpu.vector_load %arg11[%swap3A_81] {strides = array<i32>} : memref<128xi32, #tpu.memory_space<vmem>>, vector<16xi32>,
      %swap3A_83 = vector.shape_cast %swap3A_82 : vector<16xi32> to vector<16xi32>
      %swap3A_84 = vector.shape_cast %add3A_80 : vector<16xi32> to vector<16xi32>
      tpu.vector_store %arg11[%swap3A_81], %swap3A_84 {strides = array<i32>} : memref<128xi32, #tpu.memory_space<vmem>>, vector<16xi32>,
      %add3A_85 = arith.constant 80 : i32
      %add3A_86 = arith.addi %mul3A_45, %add3A_85 : i32
      %add3A_87 = vector.broadcast %add3A_86 : i32 to vector<16xi32>
      %add3A_88 = arith.addi %add3A_87, %iota3A : vector<16xi32>
      %swap3A_89 = arith.constant 80 : index
      %swap3A_90 = tpu.vector_load %arg11[%swap3A_89] {strides = array<i32>} : memref<128xi32, #tpu.memory_space<vmem>>, vector<16xi32>,
      %swap3A_91 = vector.shape_cast %swap3A_90 : vector<16xi32> to vector<16xi32>
      %swap3A_92 = vector.shape_cast %add3A_88 : vector<16xi32> to vector<16xi32>
      tpu.vector_store %arg11[%swap3A_89], %swap3A_92 {strides = array<i32>} : memref<128xi32, #tpu.memory_space<vmem>>, vector<16xi32>,
      %add3A_93 = arith.constant 96 : i32
      %add3A_94 = arith.addi %mul3A_45, %add3A_93 : i32
      %add3A_95 = vector.broadcast %add3A_94 : i32 to vector<16xi32>
      %add3A_96 = arith.addi %add3A_95, %iota3A : vector<16xi32>
      %swap3A_97 = arith.constant 96 : index
      %swap3A_98 = tpu.vector_load %arg11[%swap3A_97] {strides = array<i32>} : memref<128xi32, #tpu.memory_space<vmem>>, vector<16xi32>,
      %swap3A_99 = vector.shape_cast %swap3A_98 : vector<16xi32> to vector<16xi32>
      %swap3A_100 = vector.shape_cast %add3A_96 : vector<16xi32> to vector<16xi32>
      tpu.vector_store %arg11[%swap3A_97], %swap3A_100 {strides = array<i32>} : memref<128xi32, #tpu.memory_space<vmem>>, vector<16xi32>,
      %add3A_101 = arith.constant 112 : i32
      %add3A_102 = arith.addi %mul3A_45, %add3A_101 : i32
      %add3A_103 = vector.broadcast %add3A_102 : i32 to vector<16xi32>
      %add3A_104 = arith.addi %add3A_103, %iota3A : vector<16xi32>
      %swap3A_105 = arith.constant 112 : index
      %swap3A_106 = tpu.vector_load %arg11[%swap3A_105] {strides = array<i32>} : memref<128xi32, #tpu.memory_space<vmem>>, vector<16xi32>,
      %swap3A_107 = vector.shape_cast %swap3A_106 : vector<16xi32> to vector<16xi32>
      %swap3A_108 = vector.shape_cast %add3A_104 : vector<16xi32> to vector<16xi32>
      tpu.vector_store %arg11[%swap3A_105], %swap3A_108 {strides = array<i32>} : memref<128xi32, #tpu.memory_space<vmem>>, vector<16xi32>,
      "tpu.region"() ({
        %run_scoped3A = tpu.sem_alloc : memref<!tpu.dma_semaphore, #tpu.memory_space<semaphore_mem>>
        %dma_start3A = arith.constant 0 : i32
        %dma_start3A_109 = arith.constant 0 : i32
        %dma_start3A_110 = tpu.memref_slice %arg13[%dma_start3A, %dma_start3A_109] : memref<12288x128xf32, #tpu.memory_space<vmem_shared>> -> memref<12288x128xf32, #tpu.memory_space<vmem_shared>>
        tpu.enqueue_indirect_dma source(%arg12 : memref<128x128xf32, #tpu.memory_space<vmem>>) target(%dma_start3A_110 : memref<12288x128xf32, #tpu.memory_space<vmem_shared>>) offsets(%arg11 : memref<128xi32, #tpu.memory_space<vmem>>) semaphore(%run_scoped3A : memref<!tpu.dma_semaphore, #tpu.memory_space<semaphore_mem>>)
        %dma_wait3A = arith.constant 0 : i32
        %dma_wait3A_111 = arith.constant 0 : i32
        %dma_wait3A_112 = tpu.memref_slice %arg13[%dma_wait3A, %dma_wait3A_111] : memref<12288x128xf32, #tpu.memory_space<vmem_shared>> -> memref<12288x128xf32, #tpu.memory_space<vmem_shared>>
        tpu.wait_indirect_dma semaphore(%run_scoped3A : memref<!tpu.dma_semaphore, #tpu.memory_space<semaphore_mem>>) src(%arg12 : memref<128x128xf32, #tpu.memory_space<vmem>>) dst(%dma_wait3A_112 : memref<12288x128xf32, #tpu.memory_space<vmem_shared>>)
        tpu.yield
      }) : () -> ()
    }
    %scan3A_21 = arith.constant 6 : i32
    %barrier3A_22 = arith.constant 0 : index
    tpu.barrier barrier_id(%barrier3A_22)
    "tpu.region"() ({
      %run_scoped3A = tpu.sem_alloc : memref<!tpu.dma_semaphore, #tpu.memory_space<semaphore_mem>>
      tpu.enqueue_dma source(%arg6 : memref<128x128xf32, #tpu.memory_space<hbm>>) target(%arg12 : memref<128x128xf32, #tpu.memory_space<vmem>>) target_semaphore(%run_scoped3A : memref<!tpu.dma_semaphore, #tpu.memory_space<semaphore_mem>>)
      tpu.wait_dma2 semaphore(%run_scoped3A : memref<!tpu.dma_semaphore, #tpu.memory_space<semaphore_mem>>) src(%arg6 : memref<128x128xf32, #tpu.memory_space<hbm>>) dst(%arg12 : memref<128x128xf32, #tpu.memory_space<vmem>>)
      tpu.yield
    }) : () -> ()
    %scan3A_23 = arith.constant 0 : i32
    %scan3A_24 = arith.constant 40 : i32
    %scan3A_25 = arith.addi %scan3A_23, %scan3A_24 : i32
    %scan3A_26 = arith.constant 1 : i32
    scf.for %scan3A_37 = %scan3A_23 to %scan3A_25 step %scan3A_26  : i32 {
      %mul3A_38 = arith.constant 1 : i32
      %mul3A_39 = arith.muli %scan3A_37, %mul3A_38 : i32
      %add3A = arith.constant 0 : i32
      %add3A_40 = arith.addi %add3A, %mul3A_39 : i32
      %mul3A_41 = arith.constant 81920 : i32
      %mul3A_42 = arith.muli %arg0, %mul3A_41 : i32
      %mul3A_43 = arith.constant 16 : i32
      %mul3A_44 = arith.muli %add3A_40, %mul3A_43 : i32
      %add3A_45 = arith.addi %mul3A_44, %arg1 : i32
      %mul3A_46 = arith.constant 128 : i32
      %mul3A_47 = arith.muli %add3A_45, %mul3A_46 : i32
      %add3A_48 = arith.addi %mul3A_42, %mul3A_47 : i32
      %multiple_of3A_49 = tpu.assume_multiple %add3A_48, 128 : i32
      "tpu.region"() ({
        %run_scoped3A = tpu.sem_alloc : memref<!tpu.dma_semaphore, #tpu.memory_space<semaphore_mem>>
        %dma_start3A = tpu.memref_slice %arg4[%multiple_of3A_49] : memref<163840xi32, #tpu.memory_space<hbm>> -> memref<128xi32, #tpu.memory_space<hbm>>
        %dma_start3A_50 = tpu.memref_slice %arg4[%multiple_of3A_49] : memref<163840xi32, #tpu.memory_space<hbm>> -> memref<128xi32, #tpu.memory_space<hbm>>
        tpu.enqueue_dma source(%dma_start3A_50 : memref<128xi32, #tpu.memory_space<hbm>>) target(%arg10 : memref<128xi32, #tpu.memory_space<vmem>>) target_semaphore(%run_scoped3A : memref<!tpu.dma_semaphore, #tpu.memory_space<semaphore_mem>>)
        %dma_wait3A = tpu.memref_slice %arg4[%multiple_of3A_49] : memref<163840xi32, #tpu.memory_space<hbm>> -> memref<128xi32, #tpu.memory_space<hbm>>
        %dma_wait3A_51 = tpu.memref_slice %arg4[%multiple_of3A_49] : memref<163840xi32, #tpu.memory_space<hbm>> -> memref<128xi32, #tpu.memory_space<hbm>>
        tpu.wait_dma2 semaphore(%run_scoped3A : memref<!tpu.dma_semaphore, #tpu.memory_space<semaphore_mem>>) src(%dma_wait3A_51 : memref<128xi32, #tpu.memory_space<hbm>>) dst(%arg10 : memref<128xi32, #tpu.memory_space<vmem>>)
        tpu.yield
      }) : () -> ()
      "tpu.region"() ({
        %run_scoped3A = tpu.sem_alloc : memref<!tpu.dma_semaphore, #tpu.memory_space<semaphore_mem>>
        %dma_start3A = arith.constant 0 : i32
        %dma_start3A_50 = arith.constant 0 : i32
        %dma_start3A_51 = tpu.memref_slice %arg13[%dma_start3A, %dma_start3A_50] : memref<12288x128xf32, #tpu.memory_space<vmem_shared>> -> memref<12288x128xf32, #tpu.memory_space<vmem_shared>>
        tpu.enqueue_indirect_dma source(%arg12 : memref<128x128xf32, #tpu.memory_space<vmem>>) target(%dma_start3A_51 : memref<12288x128xf32, #tpu.memory_space<vmem_shared>>) offsets(%arg10 : memref<128xi32, #tpu.memory_space<vmem>>) semaphore(%run_scoped3A : memref<!tpu.dma_semaphore, #tpu.memory_space<semaphore_mem>>) {add = true}
        %dma_wait3A = arith.constant 0 : i32
        %dma_wait3A_52 = arith.constant 0 : i32
        %dma_wait3A_53 = tpu.memref_slice %arg13[%dma_wait3A, %dma_wait3A_52] : memref<12288x128xf32, #tpu.memory_space<vmem_shared>> -> memref<12288x128xf32, #tpu.memory_space<vmem_shared>>
        tpu.wait_indirect_dma semaphore(%run_scoped3A : memref<!tpu.dma_semaphore, #tpu.memory_space<semaphore_mem>>) src(%arg12 : memref<128x128xf32, #tpu.memory_space<vmem>>) dst(%dma_wait3A_53 : memref<12288x128xf32, #tpu.memory_space<vmem_shared>>)
        tpu.yield
      }) : () -> ()
    }
    %scan3A_27 = arith.constant 40 : i32
    %barrier3A_28 = arith.constant 0 : index
    tpu.barrier barrier_id(%barrier3A_28)
    %mul3A_29 = arith.constant 12288 : i32
    %mul3A_30 = arith.muli %arg0, %mul3A_29 : i32
    %multiple_of3A_31 = tpu.assume_multiple %mul3A_30, 8 : i32
    %scan3A_32 = arith.constant 0 : i32
    %scan3A_33 = arith.constant 6 : i32
    %scan3A_34 = arith.addi %scan3A_32, %scan3A_33 : i32
    %scan3A_35 = arith.constant 1 : i32
    scf.for %scan3A_37 = %scan3A_32 to %scan3A_34 step %scan3A_35  : i32 {
      %mul3A_38 = arith.constant 1 : i32
      %mul3A_39 = arith.muli %scan3A_37, %mul3A_38 : i32
      %add3A = arith.constant 0 : i32
      %add3A_40 = arith.addi %add3A, %mul3A_39 : i32
      %mul3A_41 = arith.constant 16 : i32
      %mul3A_42 = arith.muli %add3A_40, %mul3A_41 : i32
      %add3A_43 = arith.addi %mul3A_42, %arg1 : i32
      %mul3A_44 = arith.constant 128 : i32
      %mul3A_45 = arith.muli %add3A_43, %mul3A_44 : i32
      %multiple_of3A_46 = tpu.assume_multiple %mul3A_45, 128 : i32
      %add3A_47 = arith.constant 0 : i32
      %add3A_48 = arith.addi %multiple_of3A_46, %add3A_47 : i32
      %add3A_49 = vector.broadcast %add3A_48 : i32 to vector<16xi32>
      %add3A_50 = arith.addi %add3A_49, %iota3A : vector<16xi32>
      %swap3A = arith.constant 0 : index
      %swap3A_51 = tpu.vector_load %arg11[%swap3A] {strides = array<i32>} : memref<128xi32, #tpu.memory_space<vmem>>, vector<16xi32>,
      %swap3A_52 = vector.shape_cast %swap3A_51 : vector<16xi32> to vector<16xi32>
      %swap3A_53 = vector.shape_cast %add3A_50 : vector<16xi32> to vector<16xi32>
      tpu.vector_store %arg11[%swap3A], %swap3A_53 {strides = array<i32>} : memref<128xi32, #tpu.memory_space<vmem>>, vector<16xi32>,
      %add3A_54 = arith.constant 16 : i32
      %add3A_55 = arith.addi %multiple_of3A_46, %add3A_54 : i32
      %add3A_56 = vector.broadcast %add3A_55 : i32 to vector<16xi32>
      %add3A_57 = arith.addi %add3A_56, %iota3A : vector<16xi32>
      %swap3A_58 = arith.constant 16 : index
      %swap3A_59 = tpu.vector_load %arg11[%swap3A_58] {strides = array<i32>} : memref<128xi32, #tpu.memory_space<vmem>>, vector<16xi32>,
      %swap3A_60 = vector.shape_cast %swap3A_59 : vector<16xi32> to vector<16xi32>
      %swap3A_61 = vector.shape_cast %add3A_57 : vector<16xi32> to vector<16xi32>
      tpu.vector_store %arg11[%swap3A_58], %swap3A_61 {strides = array<i32>} : memref<128xi32, #tpu.memory_space<vmem>>, vector<16xi32>,
      %add3A_62 = arith.constant 32 : i32
      %add3A_63 = arith.addi %multiple_of3A_46, %add3A_62 : i32
      %add3A_64 = vector.broadcast %add3A_63 : i32 to vector<16xi32>
      %add3A_65 = arith.addi %add3A_64, %iota3A : vector<16xi32>
      %swap3A_66 = arith.constant 32 : index
      %swap3A_67 = tpu.vector_load %arg11[%swap3A_66] {strides = array<i32>} : memref<128xi32, #tpu.memory_space<vmem>>, vector<16xi32>,
      %swap3A_68 = vector.shape_cast %swap3A_67 : vector<16xi32> to vector<16xi32>
      %swap3A_69 = vector.shape_cast %add3A_65 : vector<16xi32> to vector<16xi32>
      tpu.vector_store %arg11[%swap3A_66], %swap3A_69 {strides = array<i32>} : memref<128xi32, #tpu.memory_space<vmem>>, vector<16xi32>,
      %add3A_70 = arith.constant 48 : i32
      %add3A_71 = arith.addi %multiple_of3A_46, %add3A_70 : i32
      %add3A_72 = vector.broadcast %add3A_71 : i32 to vector<16xi32>
      %add3A_73 = arith.addi %add3A_72, %iota3A : vector<16xi32>
      %swap3A_74 = arith.constant 48 : index
      %swap3A_75 = tpu.vector_load %arg11[%swap3A_74] {strides = array<i32>} : memref<128xi32, #tpu.memory_space<vmem>>, vector<16xi32>,
      %swap3A_76 = vector.shape_cast %swap3A_75 : vector<16xi32> to vector<16xi32>
      %swap3A_77 = vector.shape_cast %add3A_73 : vector<16xi32> to vector<16xi32>
      tpu.vector_store %arg11[%swap3A_74], %swap3A_77 {strides = array<i32>} : memref<128xi32, #tpu.memory_space<vmem>>, vector<16xi32>,
      %add3A_78 = arith.constant 64 : i32
      %add3A_79 = arith.addi %multiple_of3A_46, %add3A_78 : i32
      %add3A_80 = vector.broadcast %add3A_79 : i32 to vector<16xi32>
      %add3A_81 = arith.addi %add3A_80, %iota3A : vector<16xi32>
      %swap3A_82 = arith.constant 64 : index
      %swap3A_83 = tpu.vector_load %arg11[%swap3A_82] {strides = array<i32>} : memref<128xi32, #tpu.memory_space<vmem>>, vector<16xi32>,
      %swap3A_84 = vector.shape_cast %swap3A_83 : vector<16xi32> to vector<16xi32>
      %swap3A_85 = vector.shape_cast %add3A_81 : vector<16xi32> to vector<16xi32>
      tpu.vector_store %arg11[%swap3A_82], %swap3A_85 {strides = array<i32>} : memref<128xi32, #tpu.memory_space<vmem>>, vector<16xi32>,
      %add3A_86 = arith.constant 80 : i32
      %add3A_87 = arith.addi %multiple_of3A_46, %add3A_86 : i32
      %add3A_88 = vector.broadcast %add3A_87 : i32 to vector<16xi32>
      %add3A_89 = arith.addi %add3A_88, %iota3A : vector<16xi32>
      %swap3A_90 = arith.constant 80 : index
      %swap3A_91 = tpu.vector_load %arg11[%swap3A_90] {strides = array<i32>} : memref<128xi32, #tpu.memory_space<vmem>>, vector<16xi32>,
      %swap3A_92 = vector.shape_cast %swap3A_91 : vector<16xi32> to vector<16xi32>
      %swap3A_93 = vector.shape_cast %add3A_89 : vector<16xi32> to vector<16xi32>
      tpu.vector_store %arg11[%swap3A_90], %swap3A_93 {strides = array<i32>} : memref<128xi32, #tpu.memory_space<vmem>>, vector<16xi32>,
      %add3A_94 = arith.constant 96 : i32
      %add3A_95 = arith.addi %multiple_of3A_46, %add3A_94 : i32
      %add3A_96 = vector.broadcast %add3A_95 : i32 to vector<16xi32>
      %add3A_97 = arith.addi %add3A_96, %iota3A : vector<16xi32>
      %swap3A_98 = arith.constant 96 : index
      %swap3A_99 = tpu.vector_load %arg11[%swap3A_98] {strides = array<i32>} : memref<128xi32, #tpu.memory_space<vmem>>, vector<16xi32>,
      %swap3A_100 = vector.shape_cast %swap3A_99 : vector<16xi32> to vector<16xi32>
      %swap3A_101 = vector.shape_cast %add3A_97 : vector<16xi32> to vector<16xi32>
      tpu.vector_store %arg11[%swap3A_98], %swap3A_101 {strides = array<i32>} : memref<128xi32, #tpu.memory_space<vmem>>, vector<16xi32>,
      %add3A_102 = arith.constant 112 : i32
      %add3A_103 = arith.addi %multiple_of3A_46, %add3A_102 : i32
      %add3A_104 = vector.broadcast %add3A_103 : i32 to vector<16xi32>
      %add3A_105 = arith.addi %add3A_104, %iota3A : vector<16xi32>
      %swap3A_106 = arith.constant 112 : index
      %swap3A_107 = tpu.vector_load %arg11[%swap3A_106] {strides = array<i32>} : memref<128xi32, #tpu.memory_space<vmem>>, vector<16xi32>,
      %swap3A_108 = vector.shape_cast %swap3A_107 : vector<16xi32> to vector<16xi32>
      %swap3A_109 = vector.shape_cast %add3A_105 : vector<16xi32> to vector<16xi32>
      tpu.vector_store %arg11[%swap3A_106], %swap3A_109 {strides = array<i32>} : memref<128xi32, #tpu.memory_space<vmem>>, vector<16xi32>,
      %dma_start3A = arith.constant 0 : i32
      %dma_start3A_110 = arith.constant 0 : i32
      %dma_start3A_111 = tpu.memref_slice %arg13[%dma_start3A, %dma_start3A_110] : memref<12288x128xf32, #tpu.memory_space<vmem_shared>> -> memref<12288x128xf32, #tpu.memory_space<vmem_shared>>
      tpu.enqueue_indirect_dma source(%dma_start3A_111 : memref<12288x128xf32, #tpu.memory_space<vmem_shared>>) target(%arg12 : memref<128x128xf32, #tpu.memory_space<vmem>>) offsets(%arg11 : memref<128xi32, #tpu.memory_space<vmem>>) semaphore(%arg14 : memref<!tpu.dma_semaphore, #tpu.memory_space<semaphore_mem>>)
      %dma_wait3A = arith.constant 0 : i32
      %dma_wait3A_112 = arith.constant 0 : i32
      %dma_wait3A_113 = tpu.memref_slice %arg13[%dma_wait3A, %dma_wait3A_112] : memref<12288x128xf32, #tpu.memory_space<vmem_shared>> -> memref<12288x128xf32, #tpu.memory_space<vmem_shared>>
      tpu.wait_indirect_dma semaphore(%arg14 : memref<!tpu.dma_semaphore, #tpu.memory_space<semaphore_mem>>) src(%dma_wait3A_113 : memref<12288x128xf32, #tpu.memory_space<vmem_shared>>) dst(%arg12 : memref<128x128xf32, #tpu.memory_space<vmem>>)
      %add3A_114 = arith.addi %multiple_of3A_31, %multiple_of3A_46 : i32
      "tpu.region"() ({
        %run_scoped3A = tpu.sem_alloc : memref<!tpu.dma_semaphore, #tpu.memory_space<semaphore_mem>>
        %dma_start3A_115 = arith.constant 0 : i32
        %dma_start3A_116 = tpu.memref_slice %arg8[%add3A_114, %dma_start3A_115] : memref<24576x128xf32, #tpu.memory_space<hbm>> -> memref<128x128xf32, #tpu.memory_space<hbm>>
        %dma_start3A_117 = arith.constant 0 : i32
        %dma_start3A_118 = tpu.memref_slice %arg8[%add3A_114, %dma_start3A_117] : memref<24576x128xf32, #tpu.memory_space<hbm>> -> memref<128x128xf32, #tpu.memory_space<hbm>>
        tpu.enqueue_dma source(%arg12 : memref<128x128xf32, #tpu.memory_space<vmem>>) target(%dma_start3A_118 : memref<128x128xf32, #tpu.memory_space<hbm>>) target_semaphore(%run_scoped3A : memref<!tpu.dma_semaphore, #tpu.memory_space<semaphore_mem>>)
        %dma_wait3A_119 = arith.constant 0 : i32
        %dma_wait3A_120 = tpu.memref_slice %arg8[%add3A_114, %dma_wait3A_119] : memref<24576x128xf32, #tpu.memory_space<hbm>> -> memref<128x128xf32, #tpu.memory_space<hbm>>
        %dma_wait3A_121 = arith.constant 0 : i32
        %dma_wait3A_122 = tpu.memref_slice %arg8[%add3A_114, %dma_wait3A_121] : memref<24576x128xf32, #tpu.memory_space<hbm>> -> memref<128x128xf32, #tpu.memory_space<hbm>>
        tpu.wait_dma2 semaphore(%run_scoped3A : memref<!tpu.dma_semaphore, #tpu.memory_space<semaphore_mem>>) src(%arg12 : memref<128x128xf32, #tpu.memory_space<vmem>>) dst(%dma_wait3A_122 : memref<128x128xf32, #tpu.memory_space<hbm>>)
        tpu.yield
      }) : () -> ()
    }
    %scan3A_36 = arith.constant 6 : i32
    return
  }
}

module attributes {stable_mosaic.version = 14 : i64} {
  func.func @_tc_body(%arg0: i32, %arg1: memref<1x1000x128xf32, #tpu.memory_space<vmem>>, %arg2: memref<1x1000x128xf32, #tpu.memory_space<vmem>>, %arg3: memref<1x1000x128xf32, #tpu.memory_space<vmem>>, %arg4: memref<1x1000x128xf32, #tpu.memory_space<vmem>>, %arg5: memref<1000x256xf32, #tpu.memory_space<vmem>>, %arg6: memref<256x256xf32, #tpu.memory_space<vmem>>, %arg7: memref<256x256xf32, #tpu.memory_space<vmem>>, %arg8: memref<1x256xf32, #tpu.memory_space<vmem>>, %arg9: memref<1000x256xf32, #tpu.memory_space<vmem>>) attributes {dimension_semantics = [#tpu.dimension_semantics<arbitrary>], iteration_bounds = array<i64: 10>, scalar_prefetch = 0 : i64, scratch_operands = 0 : i64, tpu.core_type = #tpu.core_type<tc>, window_params = [{transform_indices = @transform_0, window_bounds = array<i64: 1, 1000, 128>}, {transform_indices = @transform_1, window_bounds = array<i64: 1, 1000, 128>}, {transform_indices = @transform_2, window_bounds = array<i64: 1, 1000, 128>}, {transform_indices = @transform_3, window_bounds = array<i64: 1, 1000, 128>}, {transform_indices = @transform_4, window_bounds = array<i64: 1000, 256>}, {pipeline_mode = #tpu.pipeline_mode<synchronous>, transform_indices = @transform_5, window_bounds = array<i64: 256, 256>}, {pipeline_mode = #tpu.pipeline_mode<synchronous>, transform_indices = @transform_6, window_bounds = array<i64: 256, 256>}, {pipeline_mode = #tpu.pipeline_mode<synchronous>, transform_indices = @transform_7, window_bounds = array<i64: 1, 256>}, {transform_indices = @transform_8, window_bounds = array<i64: 1000, 256>}]} {
    %get3A = arith.constant 0 : index
    %get3A_0 = arith.constant 0 : index
    %get3A_1 = arith.constant 0 : index
    %get3A_2 = vector.load %arg3[%get3A, %get3A_0, %get3A_1] : memref<1x1000x128xf32, #tpu.memory_space<vmem>>, vector<1x1000x128xf32>
    %get3A_3 = vector.shape_cast %get3A_2 : vector<1x1000x128xf32> to vector<1000x128xf32>
    %slice3A = vector.extract_strided_slice %get3A_3 {offsets = [0, 0], sizes = [1000, 1], strides = [1, 1]} : vector<1000x128xf32> to vector<1000x1xf32>
    %get3A_4 = arith.constant 0 : index
    %get3A_5 = arith.constant 0 : index
    %get3A_6 = arith.constant 0 : index
    %get3A_7 = vector.load %arg4[%get3A_4, %get3A_5, %get3A_6] : memref<1x1000x128xf32, #tpu.memory_space<vmem>>, vector<1x1000x128xf32>
    %get3A_8 = vector.shape_cast %get3A_7 : vector<1x1000x128xf32> to vector<1000x128xf32>
    %slice3A_9 = vector.extract_strided_slice %get3A_8 {offsets = [0, 0], sizes = [1000, 1], strides = [1, 1]} : vector<1000x128xf32> to vector<1000x1xf32>
    %add3A = arith.addf %slice3A, %slice3A_9 : vector<1000x1xf32>
    %max3A = arith.constant 1.000000e+00 : f32
    %max3A_10 = vector.broadcast %max3A : f32 to vector<1000x1xf32>
    %max3A_11 = arith.maximumf %add3A, %max3A_10 : vector<1000x1xf32>
    %div3A = arith.constant 1.000000e+00 : f32
    %div3A_12 = vector.broadcast %div3A : f32 to vector<1000x1xf32>
    %div3A_13 = arith.divf %div3A_12, %max3A_11 : vector<1000x1xf32>
    %get3A_14 = arith.constant 0 : index
    %get3A_15 = arith.constant 0 : index
    %get3A_16 = arith.constant 0 : index
    %get3A_17 = vector.load %arg1[%get3A_14, %get3A_15, %get3A_16] : memref<1x1000x128xf32, #tpu.memory_space<vmem>>, vector<1x1000x128xf32>
    %get3A_18 = vector.shape_cast %get3A_17 : vector<1x1000x128xf32> to vector<1000x128xf32>
    %mul3A = vector.broadcast %div3A_13 : vector<1000x1xf32> to vector<1000x128xf32>
    %mul3A_19 = arith.mulf %get3A_18, %mul3A : vector<1000x128xf32>
    %get3A_20 = arith.constant 0 : index
    %get3A_21 = arith.constant 0 : index
    %get3A_22 = arith.constant 0 : index
    %get3A_23 = vector.load %arg2[%get3A_20, %get3A_21, %get3A_22] : memref<1x1000x128xf32, #tpu.memory_space<vmem>>, vector<1x1000x128xf32>
    %get3A_24 = vector.shape_cast %get3A_23 : vector<1x1000x128xf32> to vector<1000x128xf32>
    %mul3A_25 = vector.broadcast %div3A_13 : vector<1000x1xf32> to vector<1000x128xf32>
    %mul3A_26 = arith.mulf %get3A_24, %mul3A_25 : vector<1000x128xf32>
    %concatenate3A = tpu.concatenate %mul3A_19, %mul3A_26 in 1 : vector<1000x128xf32>, vector<1000x128xf32> -> vector<1000x256xf32>
    %get3A_27 = arith.constant 0 : index
    %get3A_28 = arith.constant 0 : index
    %get3A_29 = vector.load %arg6[%get3A_27, %get3A_28] : memref<256x256xf32, #tpu.memory_space<vmem>>, vector<256x256xf32>
    %dot_general3A = arith.constant dense<0.000000e+00> : vector<1000x256xf32>
    %dot_general3A_30 = tpu.matmul %concatenate3A, %get3A_29, %dot_general3A {dimension_numbers = #tpu.dot_dimension_numbers<[1], [0], [0], [1], [0, 0, 1, 1], [], []>, transpose_lhs_hint = false} : vector<1000x256xf32>, vector<256x256xf32>, vector<1000x256xf32> -> vector<1000x256xf32>
    %get3A_31 = arith.constant 0 : index
    %get3A_32 = arith.constant 0 : index
    %get3A_33 = vector.load %arg5[%get3A_31, %get3A_32] : memref<1000x256xf32, #tpu.memory_space<vmem>>, vector<1000x256xf32>
    %get3A_34 = arith.constant 0 : index
    %get3A_35 = arith.constant 0 : index
    %get3A_36 = vector.load %arg7[%get3A_34, %get3A_35] : memref<256x256xf32, #tpu.memory_space<vmem>>, vector<256x256xf32>
    %dot_general3A_37 = arith.constant dense<0.000000e+00> : vector<1000x256xf32>
    %dot_general3A_38 = tpu.matmul %get3A_33, %get3A_36, %dot_general3A_37 {dimension_numbers = #tpu.dot_dimension_numbers<[1], [0], [0], [1], [0, 0, 1, 1], [], []>, transpose_lhs_hint = false} : vector<1000x256xf32>, vector<256x256xf32>, vector<1000x256xf32> -> vector<1000x256xf32>
    %add3A_39 = arith.addf %dot_general3A_30, %dot_general3A_38 : vector<1000x256xf32>
    %get3A_40 = arith.constant 0 : index
    %get3A_41 = arith.constant 0 : index
    %get3A_42 = vector.load %arg8[%get3A_40, %get3A_41] : memref<1x256xf32, #tpu.memory_space<vmem>>, vector<1x256xf32>
    %add3A_43 = vector.broadcast %get3A_42 : vector<1x256xf32> to vector<1000x256xf32>
    %add3A_44 = arith.addf %add3A_39, %add3A_43 : vector<1000x256xf32>
    %swap3A = arith.constant 0 : index
    %swap3A_45 = arith.constant 0 : index
    %swap3A_46 = vector.load %arg9[%swap3A, %swap3A_45] : memref<1000x256xf32, #tpu.memory_space<vmem>>, vector<1000x256xf32>
    tpu.vector_store %arg9[%swap3A, %swap3A_45], %add3A_44 {strides = array<i32>} : memref<1000x256xf32, #tpu.memory_space<vmem>>, vector<1000x256xf32>,
    return
  }
  func.func @transform_0(%arg0: i32) -> (i32, i32, i32) {
    %c0_i32 = arith.constant 0 : i32
    %c0_i32_0 = arith.constant 0 : i32
    %c0_i32_1 = arith.constant 0 : i32
    return %c0_i32, %arg0, %c0_i32_0 : i32, i32, i32
  }
  func.func @transform_1(%arg0: i32) -> (i32, i32, i32) {
    %c1_i32 = arith.constant 1 : i32
    %c0_i32 = arith.constant 0 : i32
    %c0_i32_0 = arith.constant 0 : i32
    return %c1_i32, %arg0, %c0_i32 : i32, i32, i32
  }
  func.func @transform_2(%arg0: i32) -> (i32, i32, i32) {
    %c0_i32 = arith.constant 0 : i32
    %c0_i32_0 = arith.constant 0 : i32
    %c0_i32_1 = arith.constant 0 : i32
    return %c0_i32, %arg0, %c0_i32_0 : i32, i32, i32
  }
  func.func @transform_3(%arg0: i32) -> (i32, i32, i32) {
    %c1_i32 = arith.constant 1 : i32
    %c0_i32 = arith.constant 0 : i32
    %c0_i32_0 = arith.constant 0 : i32
    return %c1_i32, %arg0, %c0_i32 : i32, i32, i32
  }
  func.func @transform_4(%arg0: i32) -> (i32, i32) {
    %c0_i32 = arith.constant 0 : i32
    %c0_i32_0 = arith.constant 0 : i32
    return %arg0, %c0_i32 : i32, i32
  }
  func.func @transform_5(%arg0: i32) -> (i32, i32) {
    %c0_i32 = arith.constant 0 : i32
    %c0_i32_0 = arith.constant 0 : i32
    %c0_i32_1 = arith.constant 0 : i32
    return %c0_i32, %c0_i32_0 : i32, i32
  }
  func.func @transform_6(%arg0: i32) -> (i32, i32) {
    %c0_i32 = arith.constant 0 : i32
    %c0_i32_0 = arith.constant 0 : i32
    %c0_i32_1 = arith.constant 0 : i32
    return %c0_i32, %c0_i32_0 : i32, i32
  }
  func.func @transform_7(%arg0: i32) -> (i32, i32) {
    %c0_i32 = arith.constant 0 : i32
    %c0_i32_0 = arith.constant 0 : i32
    %c0_i32_1 = arith.constant 0 : i32
    return %c0_i32, %c0_i32_0 : i32, i32
  }
  func.func @transform_8(%arg0: i32) -> (i32, i32) {
    %c0_i32 = arith.constant 0 : i32
    %c0_i32_0 = arith.constant 0 : i32
    return %arg0, %c0_i32 : i32, i32
  }
}

</mosaic_0001>

<sc_bundles>
// kernel: kernel.4.cloned.1.call-start
scs
__scs_entry_jumppad:
0x0: {  	(pc) =	sbr.rel $0x88, $3  }
0x1: {  	(tag) =	ssettag $0x0;
	lr =	simm.s32 $0x1  }
0x2: {  	[smem:$0x3F9C] =	sst lr;
	_ =	strace $0xD0000000  }
0x3: {  	_ = 	snop  }
0x4: {  	_ = 	snop  }
0x5: {  	_ = 	snop  }
0x6: {  	_ = 	snop  }
0x7: {  	_ = 	snop  }
__scs_overlays_trampoline_lowered:
0x8: {  	[smem:$0x3FAB] =	sst s0  }
0x9: {  	[smem:$0x3FAC] =	sst s1  }
0xa: {  	[smem:$0x3FAD] =	sst s2  }
0xb: {  	[smem:$0x3FAE] =	sst s3  }
0xc: {  	[smem:$0x3FAF] =	sst s4  }
0xd: {  	[smem:$0x3FB0] =	sst s5  }
0xe: {  	[smem:$0x3FB1] =	sst s6  }
0xf: {  	[smem:$0x3FB2] =	sst s7  }
0x10: {  	[smem:$0x3FB3] =	sst s8  }
0x11: {  	[smem:$0x3FB4] =	sst s9;
	s0 =	simm.s32 @!p0 $0x0  }
0x12: {  	s1 =	sld [smem:$0x3F9A];
	s0 =	simm.s32 @p0 $0x1  }
0x13: {  	[smem:$0x3FB5] =	sst s0;
	s0 =	simm.s32 @!p1 $0x0  }
0x14: {  	s2 =	sld [smem:$0x3F99];
	s0 =	simm.s32 @p1 $0x1  }
0x15: {  	[smem:$0x3FB6] =	sst s0;
	s0 =	simm.s32 @!p2 $0x0  }
0x16: {  	s3 =	sld [smem:$0x3FDB];
	s0 =	simm.s32 @p2 $0x1  }
0x17: {  	s4 =	simm.s32 $0x1BF5;
	[smem:$0x3FB8] =	sst s0  }
0x18: {  	s0 =	sld [smem:$0x3F9B];
	_ =	swait.ge [sflag:s4], $0x0  }
0x19: {  	s7 =	sld [smem:$0x3F9C]  }
0x1a: {  	s8 =	sadd.s32 $0xFFFFE003, lr  }
0x1b: {  	s9 =	sadd.s32 $0xFFFFFEF7, lr;
	s5 =	simm.s32 $0xFFFFFFFF;
	p2 =	slt.u32 s8, $0xFFFFF086  }
0x1c: {  	p1 =	slt.u32 s9, $0xF7A;
	s5 =	simm.s32 @!p2 $0x0  }
0x1d: {  	s5 =	simm.s32 @p1 $0x1;
	p0 =	seq.s32 s7, s2  }
0x1e: {  	s7 =	smul.u32 @!p0 $0xF7A, s2;
	p2 =	seq.s32 @!p0 s5, $0x0  }
0x1f: {  	s9 =	smul.u32 $0xF7A, s1;
	s8 =	simm.s32 @!p0 $0x1BF5;
	p2 =	por !p2, p0  }
0x20: {  	[sflag:s8] =	ssyncset.s32 @!p0 $0xFFFFF086;
	s6 =	sadd.s32 @!p0 s3, s7;
	s7 =	simm.s32 @!p0 $0x108  }
0x21: {  	s3 =	sadd.s32 s3, s9;
	s6 =	sadd.s32 @!p0 $0x88, s6;
	s7 =	simm.s32 @p2 $0x1082  }
0x22: {  	[simem:s7], [sflag:s8] =	dma.local @!p0 [hbm:s6], $0xF7A  }
0x23: {  	s9 =	sor.u32 $0xD0000000, s2;
	s6 =	simm.s32 $0x108;
	_ =	swait.ge @!p0 [sflag:s8], $0x0  }
0x24: {  	s3 =	sadd.s32 $0x88, s3;
	s6 =	simm.s32 @!p1 $0x1082;
	[sflag:s4] =	ssyncset.s32 $0xFFFFF086  }
0x25: {  	[simem:s6], [sflag:s4] =	dma.local [hbm:s3], $0xF7A  }
0x26: {  	[smem:$0x3F9C] =	sst s1;
	(tag) =	ssettag s2;
	_ =	strace s9  }
0x27: {  	s1 =	sld [smem:$0x3FAC]  }
0x28: {  	s2 =	sld [smem:$0x3FAD]  }
0x29: {  	s4 =	sld [smem:$0x3FAF]  }
0x2a: {  	p0 =	seq.s32 s5, $0x0;
	s5 =	sld [smem:$0x3FB0]  }
0x2b: {  	s6 =	sld [smem:$0x3FB1]  }
0x2c: {  	s7 =	sld [smem:$0x3FB2]  }
0x2d: {  	s3 =	simm.s32 $0x108;
	s8 =	sld [smem:$0x3FB3]  }
0x2e: {  	s3 =	simm.s32 @!p0 $0x1082;
	s9 =	sld [smem:$0x3FB4]  }
0x2f: {  	lr =	sadd.s32 s0, s3;
	s0 =	sld [smem:$0x3FAB]  }
0x30: {  	s3 =	sld [smem:$0x3FAE]  }
0x31: {  	[smem:$0x3FB7] =	sst s10  }
0x32: {  	s10 =	sld [smem:$0x3FB5];
	_ =	sdelay $0x3  }
0x33: {  	p0 =	seq.s32 s10, $0x1;
	s10 =	sld [smem:$0x3FB7];
	_ =	sdelay $0x3  }
0x34: {  	[smem:$0x3FB7] =	sst s10  }
0x35: {  	s10 =	sld [smem:$0x3FB6];
	_ =	sdelay $0x3  }
0x36: {  	p1 =	seq.s32 s10, $0x1;
	s10 =	sld [smem:$0x3FB7];
	_ =	sdelay $0x3  }
0x37: {  	[smem:$0x3FB7] =	sst s10  }
0x38: {  	s10 =	sld [smem:$0x3FB8]  }
0x39: {  	_ = 	snop;
	(pc) =	sbr.ind lr, $3  }
0x3a: {  	_ = 	snop  }
0x3b: {  	_ = 	snop  }
0x3c: {  	p2 =	seq.s32 s10, $0x1;
	s10 =	sld [smem:$0x3FB7]  }
0x3d: {  	_ =	shalt  }
0x3e: {  	_ =	shalt  }
0x3f: {  	_ =	shalt  }
0x40: {  	_ =	shalt  }
0x41: {  	_ =	shalt  }
0x42: {  	_ =	shalt  }
0x43: {  	_ =	shalt  }
0x44: {  	_ =	shalt  }
0x45: {  	_ =	shalt  }
0x46: {  	_ =	shalt  }
0x47: {  	_ =	shalt  }
0x48: {  	_ =	shalt  }
0x49: {  	_ =	shalt  }
0x4a: {  	_ =	shalt  }
0x4b: {  	_ =	shalt  }
0x4c: {  	_ =	shalt  }
0x4d: {  	_ =	shalt  }
0x4e: {  	_ =	shalt  }
0x4f: {  	_ =	shalt  }
0x50: {  	_ =	shalt  }
0x51: {  	_ =	shalt  }
0x52: {  	_ =	shalt  }
0x53: {  	_ =	shalt  }
0x54: {  	_ =	shalt  }
0x55: {  	_ =	shalt  }
0x56: {  	_ =	shalt  }
0x57: {  	_ =	shalt  }
0x58: {  	_ =	shalt  }
0x59: {  	_ =	shalt  }
0x5a: {  	_ =	shalt  }
0x5b: {  	_ =	shalt  }
0x5c: {  	_ =	shalt  }
0x5d: {  	_ =	shalt  }
0x5e: {  	_ =	shalt  }
0x5f: {  	_ =	shalt  }
0x60: {  	_ =	shalt  }
0x61: {  	_ =	shalt  }
0x62: {  	_ =	shalt  }
0x63: {  	_ =	shalt  }
0x64: {  	_ =	shalt  }
0x65: {  	_ =	shalt  }
0x66: {  	_ =	shalt  }
0x67: {  	_ =	shalt  }
0x68: {  	_ =	shalt  }
0x69: {  	_ =	shalt  }
0x6a: {  	_ =	shalt  }
0x6b: {  	_ =	shalt  }
0x6c: {  	_ =	shalt  }
0x6d: {  	_ =	shalt  }
0x6e: {  	_ =	shalt  }
0x6f: {  	_ =	shalt  }
0x70: {  	_ =	shalt  }
0x71: {  	_ =	shalt  }
0x72: {  	_ =	shalt  }
0x73: {  	_ =	shalt  }
0x74: {  	_ =	shalt  }
0x75: {  	_ =	shalt  }
0x76: {  	_ =	shalt  }
0x77: {  	_ =	shalt  }
0x78: {  	_ =	shalt  }
0x79: {  	_ =	shalt  }
0x7a: {  	_ =	shalt  }
0x7b: {  	_ =	shalt  }
0x7c: {  	_ =	shalt  }
0x7d: {  	_ =	shalt  }
0x7e: {  	_ =	shalt  }
0x7f: {  	_ =	shalt  }
0x80: {  	_ =	shalt  }
0x81: {  	_ =	shalt  }
0x82: {  	_ =	shalt  }
0x83: {  	_ =	shalt  }
0x84: {  	_ =	shalt  }
0x85: {  	_ =	shalt  }
0x86: {  	_ =	shalt  }
0x87: {  	_ =	shalt  }
.Lfunc_end0:
.L_simem_size_0:
called_computation_lowered:
.L_overlay_start_0:
0x88: {  	s2 =	sld [smem:$0x3FD9]  }
0x89: {  	s3 =	sld [smem:$0x3FFE];
	_ =	sdelay $0x1  }
0x8a: {  	s1 =	srdreg.scid  }
0x8b: {  	s0 =	sand.u32 $0x1, s1  }
0x8c: {  	s17 =	sshll.u32 s0, $0xA;
	s2 =	sadd.s32 s3, s2  }
0x8d: {  	s2 =	sadd.s32 s2, s17  }
0x8e: {  	[smem:$0x3FC3] =	sst s2  }
0x8f: {  	_ = 	snop  }
0x90: {  	s2 =	sld [smem:$0x3FD0];
	(tm) =	ssettm $0x1  }
0x91: {  	s18 =	sld [smem:$0x3FFB];
	_ =	sdelay $0x3  }
0x92: {  	_ =	strace s18  }
0x93: {  	s3 =	sld [smem:$0x3FFC];
	_ =	sdelay $0x3  }
0x94: {  	_ =	strace s3  }
0x95: {  	s3 =	sld [smem:$0x3FFD];
	_ =	sdelay $0x3  }
0x96: {  	_ =	strace s3  }
0x97: {  	_ =	strace $0x8FFFFFFF  }
0x98: {  	s19 =	sld [smem:$0x3FDB];
	_ =	sdelay $0x1  }
0x99: {  	s4 =	simm.s32 $_scs_section_size  }
0x9a: {  	s5 =	simm.s32 $_size__tile_overlayer_lowered;
	s6 =	simm.s32 $_tile_overlayer_lowered  }
0x9b: {  	s22 =	simm.s32 $0x1BFF;
	s21 =	sshll.u32 s6, $0x1;
	s3 =	sadd.s32 s4, s19  }
0x9c: {  	s7 =	simm.s32 $0x0;
	s20 =	sshll.u32 s5, $0x1;
	s5 =	sadd.s32 s21, s3  }
0x9d: {  	[timem:s7], [sflag:s22] =	dma.local [hbm:s5], s20  }
0x9e: {  	_ =	swait.ge [sflag:s22], s20  }
0x9f: {  	s4 =	ssub.s32 $0x0, s20;
	[sflag:s22] =	ssyncset.done $0x0  }
0xa0: {  	[sflag:s22] =	ssyncadd.s32 s4;
	_ =	sdelay $0x1  }
0xa1: {  	s23 =	simm.s32 $0x1B8B  }
0xa2: {  	_ =	swait.ge [sflag:s23], $0x1  }
0xa3: {  	[sflag:s23] =	ssyncset.done $0x0  }
0xa4: {  	s25 =	simm.s32 $0x1B8E;
	s24 =	sld [smem:$0x3FFE];
	[sflag:s23] =	ssyncadd.s32 $0xFFFFFFFF  }
0xa5: {  	s26 =	simm.s32 $execute0_lowered;
	[smem:$0x3FD2] =	sst s25  }
0xa6: {  	s5 =	sshll.u32 s26, $0x1;
	_ =	strace $0x80000046;
	[dreg:$0x1] =	wrdreg $0xFFFFFFFF  }
0xa7: {  	s28 =	simm.s32 $_size_execute0_lowered;
	s3 =	sadd.s32 s3, s5;
	[dreg:$0x0] =	wrdreg $0x0  }
0xa8: {  	s5 =	sshll.u32 s28, $0x1;
	[dreg:$0x2] =	wrdreg s3  }
0xa9: {  	[dreg:$0x3] =	wrdreg s5  }
0xaa: {  	[dreg:$0x4] =	wrdreg $0xC0  }
0xab: {  	_ =	task [dreg:s7], $0x5FFFF  }
0xac: {  	[dreg:$0x1] =	wrdreg $0xFFFFFFFF  }
0xad: {  	[dreg:$0x0] =	wrdreg $0x60  }
0xae: {  	[dreg:$0x2] =	wrdreg s2  }
0xaf: {  	[dreg:$0x3] =	wrdreg s24  }
0xb0: {  	[dreg:$0x4] =	wrdreg $0x41800  }
0xb1: {  	[dreg:$0x5] =	wrdreg $0x9  }
0xb2: {  	_ =	task.clear_ibuf [dreg:s7], $0x6FFFF;
	_ =	strace $0x90000046  }
0xb3: {  	s29 =	simm.s32 $0x9;
	_ =	strace $0x80000048  }
0xb4: {  	_ =	swait.ge [sflag:s29], $0x1  }
0xb5: {  	[sflag:s29] =	ssyncadd.s32 $0xFFFFFFFF  }
0xb6: {  	_ =	strace $0x90000048  }
0xb7: {  	_ =	sfence  }
0xb8: {  	s30 =	sld [smem:$0x0];
	_ =	sdelay $0x2  }
0xb9: {  	s31 =	sshll.u32 s1, $0xD;
	s1 =	sshrl.u32 s1, $0x2  }
0xba: {  	s3 =	sand.u32 $0x4000, s31;
	s1 =	sadd.s32 s1, s30  }
0xbb: {  	s0 =	sor.u32 s3, s0;
	s1 =	sshll.u32 s1, $0x11  }
0xbc: {  	s0 =	sor.u32 s1, s0  }
0xbd: {  	s0 =	sadd.s32 $0x8F2B, s0  }
0xbe: {  	[sflag:s0] =	ssyncadd.remote.s32 $0x1  }
0xbf: {  	_ =	sfence.sel $0xFFFF  }
0xc0: {  	[dreg:$0x0] =	wrdreg $0xFFFFFFFF;
	(pc) =	sbr.abs _section_cstart, $3  }
0xc1: {  	[dreg:$0x1] =	wrdreg $0xFFFFFFFF  }
0xc2: {  	_ =	task.clear_ibuf [dreg:s7], $0x2FFFF;
	_ =	strace $0x9FFFFFFF  }
0xc3: {  	(tm) =	ssettm $0x7FFFFFFF  }
tec
execute0_lowered:
.L_overlay_start_1:
0x0: {  	(tag) =	ssettag $0x1  }
0x1: {  	s0 =	rddreg [dreg:$0x0]  }
0x2: {  	s8 =	rddreg [dreg:$0x1];
	s1 =	srdreg.scid  }
0x3: {  	s3 =	rddreg [dreg:$0x2];
	s2 =	stileid.u32  }
0x4: {  	s4 =	simm.s32 $0x0;
	s15 =	simm.s32 $0x2;
	s16 =	simm.s32 $0x80  }
0x5: {  	s17 =	simm.s32 $0x100;
	s18 =	simm.s32 $0x1;
	s19 =	simm.s32 $0x0  }
0x6: {  	s9 =	sand.u32 $0x1, s1;
	s1 =	rddreg [dreg:$0x3];
	s5 =	sshll.u32 s2, $0x7  }
0x7: {  	[smem:$0x7FF] =	sst s4;
	s12 =	sadd.s32 $0xB200, s8;
	s6 =	smul.u32 $0x28000, s9  }
0x8: {  	s7 =	sadd.s32 $0x10200, s8;
	s30 =	sshll.u32 s2, $0x4;
	s13 =	smul.u32 $0x30000, s9  }
0x9: {  	s31 =	sshll.u32 s2, $0xB;
	s11 =	ssub.s32 $0x2, s9;
	s29 =	smul.u32 $0x14000, s9  }
0xa: {  	_ =	strace $0x80000047;
	s14 =	sshrl.u32 s11, $0x1;
	s6 =	sor.u32 s5, s6  }
0xb: {  	s11 =	ssub.s32 s11, s14;
	s13 =	sadd.s32 s13, s8;
	s14 =	sor.u32 s5, s29  }
0xc: {  	s6 =	sshrl.u32 s6, $0x3;
	s13 =	sadd.s32 s31, s13;
	s14 =	sshrl.u32 s14, $0x3  }
0xd: {  	s10 =	sadd.s32 s6, s8;
	s6 =	sadd.s32 $0x10A00, s8;
	s8 =	smax.u32 s11, $0x1  }
0xe: {  	s11 =	sadd.s32 $0x11200, s13;
	s13 =	sadd.s32 $0x71200, s13;
	s9 =	sadd.s32 $0x1200, s10  }
0xf: {  	v0 =	vlaneseq.u32;
	s10 =	sadd.s32 s30, s12;
	s12 =	sadd.s32 s14, s12;
	s14 =	simm.s32 $0x180  }
.LBB2_1:
0x10: {  	[tilespmem:s14], [sflag:$0x2] =	stream.linear.gather [hbm4b:s6+s4], $0x4000, $0x38;
	[tilespmem:$0x1C180] =	vst v63  }
0x11: {  	_ =	swait.ge [sflag:s15], $0x4000  }
0x12: {  	s20 =	sadd.s32 $0x0, s5;
	[sflag:s15] =	ssyncset.done $0x0  }
0x13: {  	v1 =	vor.u32 s20, v0;
	s22 =	sadd.s32 $0x60, s20;
	[sflag:s15] =	ssyncadd.s32 $0xFFFFC000  }
0x14: {  	s30 =	sadd.s32 $0x30, s20;
	v2 =	vor.u32 s22, v0;
	[tilespmem:$0x100] =	vst v1  }
0x15: {  	s21 =	sadd.s32 $0x70, s20;
	v3 =	vor.u32 s30, v0;
	[tilespmem:$0x160] =	vst v2  }
0x16: {  	s29 =	sadd.s32 $0x40, s20;
	v1 =	vor.u32 s21, v0;
	[tilespmem:$0x130] =	vst v3  }
0x17: {  	s28 =	sadd.s32 $0x50, s20;
	v2 =	vor.u32 s29, v0;
	[tilespmem:$0x170] =	vst v1  }
0x18: {  	s31 =	sadd.s32 $0x20, s20;
	v1 =	vor.u32 s28, v0;
	[tilespmem:$0x140] =	vst v2  }
0x19: {  	s21 =	sadd.s32 $0x10, s20;
	s20 =	simm.s32 $0x800;
	[tilespmem:$0x150] =	vst v1;
	v1 =	vor.u32 s31, v0  }
.LBB2_2:
0x1a: {  	p0 =	sne.s32 s20, $0x2800;
	v2 =	vor.u32 s21, v0;
	[tilespmem:$0x120] =	vst v1  }
0x1b: {  	[tilespmem:$0x110] =	vst v2;
	[spmem:s3] =	stream.indirect.scatter [tilespmem:s14], [sflag:$0x2], $0x80, s17, s16, $0xb8  }
0x1c: {  	_ =	swait.ge [sflag:s15], $0x4000  }
0x1d: {  	s21 =	sadd.s32 s20, s5;
	[sflag:s15] =	ssyncset.done $0x0  }
0x1e: {  	v1 =	vor.u32 s21, v0;
	s22 =	sadd.s32 $0x70, s21;
	[sflag:s15] =	ssyncadd.s32 $0xFFFFC000  }
0x1f: {  	s23 =	sadd.s32 $0x60, s21;
	[tilespmem:$0x100] =	vst v1;
	v1 =	vor.u32 s22, v0  }
.Ltmp0:
0x20: {  	v2 =	vor.u32 s23, v0;
	s22 =	sadd.s32 $0x50, s21;
	[tilespmem:$0x170] =	vst v1;
	(pc) =	sbr.rel @p0 .LBB2_2-.Ltmp0, $4  }
0x21: {  	s23 =	sadd.s32 $0x40, s21;
	v1 =	vor.u32 s22, v0;
	[tilespmem:$0x160] =	vst v2  }
0x22: {  	s22 =	sadd.s32 $0x30, s21;
	v2 =	vor.u32 s23, v0;
	[tilespmem:$0x150] =	vst v1  }
0x23: {  	s23 =	sadd.s32 $0x20, s21;
	v3 =	vor.u32 s22, v0;
	[tilespmem:$0x140] =	vst v2  }
0x24: {  	s20 =	sadd.s32 $0x800, s20;
	s21 =	sadd.s32 $0x10, s21;
	v1 =	vor.u32 s23, v0;
	[tilespmem:$0x130] =	vst v3  }
0x25: {  	v2 =	vor.u32 s21, v0;
	[tilespmem:$0x120] =	vst v1  }
0x26: {  	[tilespmem:$0x110] =	vst v2  }
0x27: {  	[spmem:s3] =	stream.indirect.scatter [tilespmem:s14], [sflag:$0x2], $0x80, s17, s16, $0xb8;
	[tilespmem:$0x1C180] =	vst v63  }
0x28: {  	_ =	swait.ge [sflag:s15], $0x4000  }
0x29: {  	[sflag:s15] =	ssyncset.done $0x0  }
0x2a: {  	[sflag:s15] =	ssyncadd.s32 $0xFFFFC000  }
0x2b: {  	s20 =	sadd.s32 $0x0, s9;
	[bflag:$0x0] =	sbarrier.arrive $0xFFFF  }
0x2c: {  	[tilespmem:s4], [sflag:$0x2] =	stream.linear.gather [hbm4b:s20+s4], $0x80, $0x38;
	[tilespmem:$0x1C180] =	vst v63  }
0x2d: {  	_ =	swait.ge [sflag:s15], $0x80  }
0x2e: {  	[sflag:s15] =	ssyncset.done $0x0  }
0x2f: {  	s31 =	sadd.s32 $0x0, s10;
	[sflag:s15] =	ssyncadd.s32 $0xFFFFFF80  }
0x30: {  	[tilespmem:s16], [sflag:$0x2] =	stream.linear.gather [hbm4b:s31+s4], $0x80, $0x38;
	[tilespmem:$0x1C180] =	vst v63  }
0x31: {  	_ =	swait.ge [sflag:s15], $0x80  }
0x32: {  	[sflag:s15] =	ssyncset.done $0x0  }
0x33: {  	[sflag:s15] =	ssyncadd.s32 $0xFFFFFF80  }
0x34: {  	[tilespmem:s14], [sflag:$0x1] =	stream.indirect.gather [hbm4b:s0+s16], $0x80, s4, s16, $0xb8;
	[tilespmem:$0x1C180] =	vst v63  }
0x35: {  	_ =	swait.ge [sflag:s18], $0x4000  }
0x36: {  	[sflag:s18] =	ssyncset.done $0x0  }
0x37: {  	[sflag:s18] =	ssyncadd.s32 $0xFFFFC000  }
0x38: {  	[spmem:s3] =	stream.indirect.scatter.add.f32 [tilespmem:s14], [sflag:$0x2], $0x80, s16, s16, $0xb8;
	[tilespmem:$0x1C180] =	vst v63  }
0x39: {  	_ =	swait.ge [sflag:s15], $0x4000  }
0x3a: {  	s21 =	simm.s32 $0x200;
	s20 =	simm.s32 $0x100;
	[sflag:s15] =	ssyncset.done $0x0  }
.LBB2_4:
0x3b: {  	s22 =	sadd.s32 s20, s9  }
0x3c: {  	[sflag:s15] =	ssyncadd.s32 $0xFFFFC000;
	s23 =	smov.u32 s21;
	s24 =	sadd.s32 $0x100, s21  }
0x3d: {  	[tilespmem:s4], [sflag:$0x2] =	stream.linear.gather [hbm4b:s22+s4], $0x80, $0x38;
	[tilespmem:$0x1C180] =	vst v63  }
0x3e: {  	p0 =	sne.s32 s21, $0x4F00;
	_ =	swait.ge [sflag:s15], $0x80  }
0x3f: {  	[sflag:s15] =	ssyncset.done $0x0  }
0x40: {  	s21 =	sadd.s32 s20, s10;
	s20 =	smov.u32 s23;
	[sflag:s15] =	ssyncadd.s32 $0xFFFFFF80  }
0x41: {  	[tilespmem:s16], [sflag:$0x2] =	stream.linear.gather [hbm4b:s21+s4], $0x80, $0x38;
	[tilespmem:$0x1C180] =	vst v63  }
0x42: {  	_ =	swait.ge [sflag:s15], $0x80  }
0x43: {  	[sflag:s15] =	ssyncset.done $0x0  }
0x44: {  	[sflag:s15] =	ssyncadd.s32 $0xFFFFFF80  }
0x45: {  	[tilespmem:s14], [sflag:$0x1] =	stream.indirect.gather [hbm4b:s0+s16], $0x80, s4, s16, $0xb8;
	[tilespmem:$0x1C180] =	vst v63  }
0x46: {  	_ =	swait.ge [sflag:s18], $0x4000  }
.Ltmp1:
0x47: {  	[sflag:s18] =	ssyncset.done $0x0;
	(pc) =	sbr.rel @p0 .LBB2_4-.Ltmp1, $4  }
0x48: {  	[sflag:s18] =	ssyncadd.s32 $0xFFFFC000  }
0x49: {  	[spmem:s3] =	stream.indirect.scatter.add.f32 [tilespmem:s14], [sflag:$0x2], $0x80, s16, s16, $0xb8;
	[tilespmem:$0x1C180] =	vst v63  }
0x4a: {  	_ =	swait.ge [sflag:s15], $0x4000  }
0x4b: {  	s21 =	smov.u32 s24;
	[sflag:s15] =	ssyncset.done $0x0  }
0x4c: {  	s21 =	sadd.s32 s20, s9;
	[sflag:s15] =	ssyncadd.s32 $0xFFFFC000  }
0x4d: {  	[tilespmem:s4], [sflag:$0x2] =	stream.linear.gather [hbm4b:s21+s4], $0x80, $0x38;
	[tilespmem:$0x1C180] =	vst v63  }
0x4e: {  	_ =	swait.ge [sflag:s15], $0x80  }
0x4f: {  	[sflag:s15] =	ssyncset.done $0x0  }
0x50: {  	s24 =	sadd.s32 s20, s10;
	[sflag:s15] =	ssyncadd.s32 $0xFFFFFF80  }
0x51: {  	[tilespmem:s16], [sflag:$0x2] =	stream.linear.gather [hbm4b:s24+s4], $0x80, $0x38;
	[tilespmem:$0x1C180] =	vst v63  }
0x52: {  	_ =	swait.ge [sflag:s15], $0x80  }
0x53: {  	[sflag:s15] =	ssyncset.done $0x0  }
0x54: {  	[sflag:s15] =	ssyncadd.s32 $0xFFFFFF80  }
0x55: {  	[tilespmem:s14], [sflag:$0x1] =	stream.indirect.gather [hbm4b:s0+s16], $0x80, s4, s16, $0xb8;
	[tilespmem:$0x1C180] =	vst v63  }
0x56: {  	_ =	swait.ge [sflag:s18], $0x4000  }
0x57: {  	[sflag:s18] =	ssyncset.done $0x0  }
0x58: {  	[sflag:s18] =	ssyncadd.s32 $0xFFFFC000  }
0x59: {  	[spmem:s3] =	stream.indirect.scatter.add.f32 [tilespmem:s14], [sflag:$0x2], $0x80, s16, s16, $0xb8;
	[tilespmem:$0x1C180] =	vst v63  }
0x5a: {  	_ =	swait.ge [sflag:s15], $0x4000  }
0x5b: {  	[sflag:s15] =	ssyncset.done $0x0  }
0x5c: {  	s25 =	sadd.s32 $0x0, s5;
	[sflag:s15] =	ssyncadd.s32 $0xFFFFC000  }
0x5d: {  	v1 =	vor.u32 s25, v0;
	s22 =	sadd.s32 $0x20, s25;
	[bflag:$0x0] =	sbarrier.arrive $0xFFFF  }
0x5e: {  	s26 =	sadd.s32 $0x10, s25;
	v2 =	vor.u32 s22, v0;
	[tilespmem:$0x100] =	vst v1  }
0x5f: {  	s30 =	sadd.s32 $0x40, s25;
	v1 =	vor.u32 s26, v0;
	[tilespmem:$0x120] =	vst v2  }
0x60: {  	s28 =	sadd.s32 $0x70, s25;
	v2 =	vor.u32 s30, v0;
	[tilespmem:$0x110] =	vst v1  }
0x61: {  	s20 =	sadd.s32 $0x30, s25;
	v1 =	vor.u32 s28, v0;
	[tilespmem:$0x140] =	vst v2  }
0x62: {  	s29 =	sadd.s32 $0x50, s25;
	v2 =	vor.u32 s20, v0;
	[tilespmem:$0x170] =	vst v1  }
0x63: {  	s31 =	sadd.s32 $0x60, s25;
	v1 =	vor.u32 s29, v0;
	[tilespmem:$0x130] =	vst v2  }
0x64: {  	[tilespmem:$0x150] =	vst v1;
	v1 =	vor.u32 s31, v0  }
0x65: {  	s21 =	smov.u32 s11;
	s22 =	smov.u32 s11;
	s20 =	simm.s32 $0x800;
	[tilespmem:$0x160] =	vst v1  }
0x66: {  	[tilespmem:s14], [sflag:$0x1] =	stream.indirect.gather [spmem:s3], $0x80, s17, s16, $0xb8;
	[tilespmem:$0x1C180] =	vst v63  }
.LBB2_6:
0x67: {  	p0 =	sne.s32 s20, $0x2800;
	_ =	swait.ge [sflag:s18], $0x4000;
	s22 =	sadd.s32 $0x8000, s22  }
0x68: {  	s23 =	smov.u32 s20;
	s20 =	sadd.s32 $0x800, s20;
	[sflag:s18] =	ssyncset.done $0x0  }
0x69: {  	[sflag:s18] =	ssyncadd.s32 $0xFFFFC000  }
0x6a: {  	[hbm4b:s21+s4] =	stream.linear.scatter [tilespmem:s14], [sflag:$0x2], $0x4000, $0x38;
	[tilespmem:$0x1C180] =	vst v63  }
0x6b: {  	s21 =	smov.u32 s22;
	_ =	swait.ge [sflag:s15], $0x4000  }
0x6c: {  	s23 =	sadd.s32 s23, s5;
	[sflag:s15] =	ssyncset.done $0x0  }
0x6d: {  	v1 =	vor.u32 s23, v0;
	s24 =	sadd.s32 $0x10, s23;
	s25 =	sadd.s32 $0x20, s23;
	[sflag:s15] =	ssyncadd.s32 $0xFFFFC000  }
0x6e: {  	s26 =	sadd.s32 $0x70, s23;
	v2 =	vor.u32 s25, v0;
	s25 =	sadd.s32 $0x50, s23;
	[tilespmem:$0x100] =	vst v1;
	v1 =	vor.u32 s24, v0;
	s24 =	sadd.s32 $0x40, s23  }
0x6f: {  	s28 =	sadd.s32 $0x30, s23;
	v4 =	vor.u32 s26, v0;
	v3 =	vor.u32 s25, v0;
	s23 =	sadd.s32 $0x60, s23;
	[tilespmem:$0x110] =	vst v1;
	v1 =	vor.u32 s24, v0  }
0x70: {  	v5 =	vor.u32 s28, v0;
	v6 =	vor.u32 s23, v0;
	[tilespmem:$0x170] =	vst v4  }
0x71: {  	[tilespmem:$0x120] =	vst v2  }
.Ltmp2:
0x72: {  	[tilespmem:$0x150] =	vst v3;
	(pc) =	sbr.rel @p0 .LBB2_6-.Ltmp2, $4  }
0x73: {  	[tilespmem:$0x140] =	vst v1  }
0x74: {  	[tilespmem:$0x160] =	vst v6  }
0x75: {  	[tilespmem:$0x130] =	vst v5  }
0x76: {  	[tilespmem:s14], [sflag:$0x1] =	stream.indirect.gather [spmem:s3], $0x80, s17, s16, $0xb8;
	[tilespmem:$0x1C180] =	vst v63  }
0x77: {  	_ =	swait.ge [sflag:s18], $0x4000  }
0x78: {  	[sflag:s18] =	ssyncset.done $0x0  }
0x79: {  	[sflag:s18] =	ssyncadd.s32 $0xFFFFC000  }
0x7a: {  	[hbm4b:s21+s4] =	stream.linear.scatter [tilespmem:s14], [sflag:$0x2], $0x4000, $0x38;
	[tilespmem:$0x1C180] =	vst v63  }
0x7b: {  	_ =	swait.ge [sflag:s15], $0x4000  }
0x7c: {  	[sflag:s15] =	ssyncset.done $0x0  }
0x7d: {  	[sflag:s15] =	ssyncadd.s32 $0xFFFFC000  }
0x7e: {  	s20 =	simm.s32 $0x0;
	[bflag:$0x0] =	sbarrier.arrive $0xFFFF  }
0x7f: {  	[tilespmem:s14], [sflag:$0x2] =	stream.linear.gather [hbm4b:s6+s20], $0x4000, $0x38;
	[tilespmem:$0x1C180] =	vst v63  }
0x80: {  	_ =	swait.ge [sflag:s15], $0x4000  }
0x81: {  	s25 =	sadd.s32 $0x0, s5;
	[sflag:s15] =	ssyncset.done $0x0  }
0x82: {  	v1 =	vor.u32 s25, v0;
	s22 =	sadd.s32 $0x60, s25;
	[sflag:s15] =	ssyncadd.s32 $0xFFFFC000  }
0x83: {  	s30 =	sadd.s32 $0x30, s25;
	v2 =	vor.u32 s22, v0;
	[tilespmem:$0x100] =	vst v1  }
0x84: {  	s26 =	sadd.s32 $0x70, s25;
	v3 =	vor.u32 s30, v0;
	[tilespmem:$0x160] =	vst v2  }
0x85: {  	s29 =	sadd.s32 $0x40, s25;
	v1 =	vor.u32 s26, v0;
	[tilespmem:$0x130] =	vst v3  }
0x86: {  	s28 =	sadd.s32 $0x50, s25;
	v2 =	vor.u32 s29, v0;
	[tilespmem:$0x170] =	vst v1  }
0x87: {  	s31 =	sadd.s32 $0x20, s25;
	v1 =	vor.u32 s28, v0;
	[tilespmem:$0x140] =	vst v2  }
0x88: {  	s21 =	sadd.s32 $0x10, s25;
	s20 =	simm.s32 $0x800;
	[tilespmem:$0x150] =	vst v1;
	v1 =	vor.u32 s31, v0  }
.LBB2_8:
0x89: {  	p0 =	sne.s32 s20, $0x2800;
	v2 =	vor.u32 s21, v0;
	[tilespmem:$0x120] =	vst v1  }
0x8a: {  	[tilespmem:$0x110] =	vst v2;
	[spmem:s3] =	stream.indirect.scatter [tilespmem:s14], [sflag:$0x2], $0x80, s17, s16, $0xb8  }
0x8b: {  	_ =	swait.ge [sflag:s15], $0x4000  }
0x8c: {  	s21 =	sadd.s32 s20, s5;
	[sflag:s15] =	ssyncset.done $0x0  }
0x8d: {  	v1 =	vor.u32 s21, v0;
	s22 =	sadd.s32 $0x70, s21;
	[sflag:s15] =	ssyncadd.s32 $0xFFFFC000  }
0x8e: {  	s23 =	sadd.s32 $0x60, s21;
	[tilespmem:$0x100] =	vst v1;
	v1 =	vor.u32 s22, v0  }
.Ltmp3:
0x8f: {  	v2 =	vor.u32 s23, v0;
	s22 =	sadd.s32 $0x50, s21;
	[tilespmem:$0x170] =	vst v1;
	(pc) =	sbr.rel @p0 .LBB2_8-.Ltmp3, $4  }
0x90: {  	s23 =	sadd.s32 $0x40, s21;
	v1 =	vor.u32 s22, v0;
	[tilespmem:$0x160] =	vst v2  }
0x91: {  	s22 =	sadd.s32 $0x30, s21;
	v2 =	vor.u32 s23, v0;
	[tilespmem:$0x150] =	vst v1  }
0x92: {  	s23 =	sadd.s32 $0x20, s21;
	v3 =	vor.u32 s22, v0;
	[tilespmem:$0x140] =	vst v2  }
0x93: {  	s20 =	sadd.s32 $0x800, s20;
	s21 =	sadd.s32 $0x10, s21;
	v1 =	vor.u32 s23, v0;
	[tilespmem:$0x130] =	vst v3  }
0x94: {  	v2 =	vor.u32 s21, v0;
	[tilespmem:$0x120] =	vst v1  }
0x95: {  	[tilespmem:$0x110] =	vst v2  }
0x96: {  	[spmem:s3] =	stream.indirect.scatter [tilespmem:s14], [sflag:$0x2], $0x80, s17, s16, $0xb8;
	[tilespmem:$0x1C180] =	vst v63  }
0x97: {  	_ =	swait.ge [sflag:s15], $0x4000  }
0x98: {  	[sflag:s15] =	ssyncset.done $0x0  }
0x99: {  	[sflag:s15] =	ssyncadd.s32 $0xFFFFC000  }
0x9a: {  	s20 =	simm.s32 $0x0;
	[bflag:$0x0] =	sbarrier.arrive $0xFFFF  }
0x9b: {  	[tilespmem:s14], [sflag:$0x2] =	stream.linear.gather [hbm4b:s7+s20], $0x4000, $0x38;
	[tilespmem:$0x1C180] =	vst v63  }
0x9c: {  	_ =	swait.ge [sflag:s15], $0x4000  }
0x9d: {  	[sflag:s15] =	ssyncset.done $0x0  }
0x9e: {  	s31 =	sadd.s32 $0x0, s12;
	[sflag:s15] =	ssyncadd.s32 $0xFFFFC000  }
0x9f: {  	[tilespmem:s16], [sflag:$0x2] =	stream.linear.gather [hbm4b:s31+s4], $0x80, $0x38;
	[tilespmem:$0x1C180] =	vst v63  }
0xa0: {  	_ =	swait.ge [sflag:s15], $0x80  }
0xa1: {  	[sflag:s15] =	ssyncset.done $0x0  }
0xa2: {  	[sflag:s15] =	ssyncadd.s32 $0xFFFFFF80  }
0xa3: {  	[spmem:s3] =	stream.indirect.scatter.add.f32 [tilespmem:s14], [sflag:$0x2], $0x80, s16, s16, $0xb8;
	[tilespmem:$0x1C180] =	vst v63  }
0xa4: {  	_ =	swait.ge [sflag:s15], $0x4000  }
0xa5: {  	s21 =	simm.s32 $0x200;
	s20 =	simm.s32 $0x100;
	[sflag:s15] =	ssyncset.done $0x0  }
.LBB2_10:
0xa6: {  	s22 =	sadd.s32 s20, s12  }
0xa7: {  	[sflag:s15] =	ssyncadd.s32 $0xFFFFC000;
	s20 =	smov.u32 s21;
	s23 =	sadd.s32 $0x100, s21  }
0xa8: {  	[tilespmem:s16], [sflag:$0x2] =	stream.linear.gather [hbm4b:s22+s4], $0x80, $0x38;
	[tilespmem:$0x1C180] =	vst v63  }
0xa9: {  	p0 =	sne.s32 s21, $0x2700;
	_ =	swait.ge [sflag:s15], $0x80  }
.Ltmp4:
0xaa: {  	[sflag:s15] =	ssyncset.done $0x0;
	(pc) =	sbr.rel @p0 .LBB2_10-.Ltmp4, $4  }
0xab: {  	[sflag:s15] =	ssyncadd.s32 $0xFFFFFF80  }
0xac: {  	[spmem:s3] =	stream.indirect.scatter.add.f32 [tilespmem:s14], [sflag:$0x2], $0x80, s16, s16, $0xb8;
	[tilespmem:$0x1C180] =	vst v63  }
0xad: {  	_ =	swait.ge [sflag:s15], $0x4000  }
0xae: {  	s21 =	smov.u32 s23;
	[sflag:s15] =	ssyncset.done $0x0  }
0xaf: {  	s20 =	sadd.s32 s20, s12;
	[sflag:s15] =	ssyncadd.s32 $0xFFFFC000  }
0xb0: {  	[tilespmem:s16], [sflag:$0x2] =	stream.linear.gather [hbm4b:s20+s4], $0x80, $0x38;
	[tilespmem:$0x1C180] =	vst v63  }
0xb1: {  	_ =	swait.ge [sflag:s15], $0x80  }
0xb2: {  	[sflag:s15] =	ssyncset.done $0x0  }
0xb3: {  	[sflag:s15] =	ssyncadd.s32 $0xFFFFFF80  }
0xb4: {  	[spmem:s3] =	stream.indirect.scatter.add.f32 [tilespmem:s14], [sflag:$0x2], $0x80, s16, s16, $0xb8;
	[tilespmem:$0x1C180] =	vst v63  }
0xb5: {  	_ =	swait.ge [sflag:s15], $0x4000  }
0xb6: {  	[sflag:s15] =	ssyncset.done $0x0  }
0xb7: {  	s26 =	sadd.s32 $0x0, s5;
	[sflag:s15] =	ssyncadd.s32 $0xFFFFC000  }
0xb8: {  	v1 =	vor.u32 s26, v0;
	s22 =	sadd.s32 $0x20, s26;
	[bflag:$0x0] =	sbarrier.arrive $0xFFFF  }
0xb9: {  	s21 =	sadd.s32 $0x10, s26;
	v2 =	vor.u32 s22, v0;
	[tilespmem:$0x100] =	vst v1  }
0xba: {  	s30 =	sadd.s32 $0x40, s26;
	v1 =	vor.u32 s21, v0;
	[tilespmem:$0x120] =	vst v2  }
0xbb: {  	s28 =	sadd.s32 $0x70, s26;
	v2 =	vor.u32 s30, v0;
	[tilespmem:$0x110] =	vst v1  }
0xbc: {  	s20 =	sadd.s32 $0x30, s26;
	v1 =	vor.u32 s28, v0;
	[tilespmem:$0x140] =	vst v2  }
0xbd: {  	s29 =	sadd.s32 $0x50, s26;
	v2 =	vor.u32 s20, v0;
	[tilespmem:$0x170] =	vst v1  }
0xbe: {  	s31 =	sadd.s32 $0x60, s26;
	v1 =	vor.u32 s29, v0;
	[tilespmem:$0x130] =	vst v2  }
0xbf: {  	[tilespmem:$0x150] =	vst v1;
	v1 =	vor.u32 s31, v0  }
0xc0: {  	s22 =	smov.u32 s13;
	s21 =	smov.u32 s13;
	s20 =	simm.s32 $0x800;
	[tilespmem:$0x160] =	vst v1  }
0xc1: {  	[tilespmem:s14], [sflag:$0x1] =	stream.indirect.gather [spmem:s3], $0x80, s17, s16, $0xb8;
	[tilespmem:$0x1C180] =	vst v63  }
.LBB2_12:
0xc2: {  	p0 =	sne.s32 s20, $0x2800;
	_ =	swait.ge [sflag:s18], $0x4000;
	s22 =	sadd.s32 $0x8000, s22  }
0xc3: {  	s23 =	smov.u32 s20;
	s20 =	sadd.s32 $0x800, s20;
	[sflag:s18] =	ssyncset.done $0x0  }
0xc4: {  	[sflag:s18] =	ssyncadd.s32 $0xFFFFC000  }
0xc5: {  	[hbm4b:s21+s4] =	stream.linear.scatter [tilespmem:s14], [sflag:$0x2], $0x4000, $0x38;
	[tilespmem:$0x1C180] =	vst v63  }
0xc6: {  	s21 =	smov.u32 s22;
	_ =	swait.ge [sflag:s15], $0x4000  }
0xc7: {  	s23 =	sadd.s32 s23, s5;
	[sflag:s15] =	ssyncset.done $0x0  }
0xc8: {  	v1 =	vor.u32 s23, v0;
	s24 =	sadd.s32 $0x10, s23;
	s25 =	sadd.s32 $0x20, s23;
	[sflag:s15] =	ssyncadd.s32 $0xFFFFC000  }
0xc9: {  	s26 =	sadd.s32 $0x70, s23;
	v2 =	vor.u32 s25, v0;
	s25 =	sadd.s32 $0x50, s23;
	[tilespmem:$0x100] =	vst v1;
	v1 =	vor.u32 s24, v0;
	s24 =	sadd.s32 $0x40, s23  }
0xca: {  	s28 =	sadd.s32 $0x30, s23;
	v4 =	vor.u32 s26, v0;
	v3 =	vor.u32 s25, v0;
	s23 =	sadd.s32 $0x60, s23;
	[tilespmem:$0x110] =	vst v1;
	v1 =	vor.u32 s24, v0  }
0xcb: {  	v5 =	vor.u32 s28, v0;
	v6 =	vor.u32 s23, v0;
	[tilespmem:$0x170] =	vst v4  }
0xcc: {  	[tilespmem:$0x120] =	vst v2  }
.Ltmp5:
0xcd: {  	[tilespmem:$0x150] =	vst v3;
	(pc) =	sbr.rel @p0 .LBB2_12-.Ltmp5, $4  }
0xce: {  	[tilespmem:$0x140] =	vst v1  }
0xcf: {  	[tilespmem:$0x160] =	vst v6  }
0xd0: {  	[tilespmem:$0x130] =	vst v5  }
0xd1: {  	[tilespmem:s14], [sflag:$0x1] =	stream.indirect.gather [spmem:s3], $0x80, s17, s16, $0xb8;
	[tilespmem:$0x1C180] =	vst v63  }
0xd2: {  	_ =	swait.ge [sflag:s18], $0x4000;
	s19 =	sadd.s32 $0x1, s19  }
0xd3: {  	[sflag:s18] =	ssyncset.done $0x0;
	p0 =	sne.s32 s19, s8  }
.Ltmp6:
0xd4: {  	[sflag:s18] =	ssyncadd.s32 $0xFFFFC000;
	(pc) =	sbr.rel @p0 .LBB2_1-.Ltmp6, $4  }
0xd5: {  	[hbm4b:s21+s4] =	stream.linear.scatter [tilespmem:s14], [sflag:$0x2], $0x4000, $0x38;
	[tilespmem:$0x1C180] =	vst v63  }
0xd6: {  	_ =	swait.ge [sflag:s15], $0x4000  }
0xd7: {  	[sflag:s15] =	ssyncset.done $0x0  }
0xd8: {  	[sflag:s15] =	ssyncadd.s32 $0xFFFFC000  }
0xd9: {  	_ =	sfence.sel $0x180000  }
0xda: {  	[bflag:$0x0] =	sbarrier.arrive $0xFFFF  }
0xdb: {  	p0 =	sne.s32 s2, $0x0;
	_ =	strace $0x90000047  }
0xdc: {  	s0 =	sadd.s32 @!p0 $0x100000, s1;
	[bflag:$0x2] =	sbarrier.arrive $0xFFFF  }
0xdd: {  	[sflag:s0] =	ssyncadd.tile.s32 @!p0 $0x1;
	_ =	shalt  }
.Lfunc_end2:
_tile_overlayer_lowered:
.L_overlay_start_2:
0xde: {  	(tag) =	ssettag $0x2  }
0xdf: {  	s0 =	rddreg [dreg:$0x0];
	s2 =	stileid.u32  }
0xe0: {  	s1 =	rddreg [dreg:$0x1];
	p0 =	sne.s32 s2, $0x0  }
0xe1: {  	s3 =	rddreg [dreg:$0x2];
	[bflag:$0x3] =	sbarrier.arrive $0xFFFF;
	s2 =	simm.s32 @!p0 $0x1C02  }
0xe2: {  	[timem:s3], [sflag:s2] =	dma.local @!p0 [hbm:s0], s1  }
0xe3: {  	s0 =	simm.s32 @!p0 $0x2  }
0xe4: {  	_ =	swait.ge @!p0 [sflag:s0], s1  }
0xe5: {  	s1 =	ssub.s32 @!p0 $0x0, s1;
	[sflag:s0] =	ssyncset.done @!p0 $0x0  }
0xe6: {  	[sflag:s0] =	ssyncadd.s32 @!p0 s1  }
0xe7: {  	[bflag:$0x3] =	sbarrier.arrive $0xFFFF  }
0xe8: {  	_ =	shalt  }

</sc_bundles>
